<compile_context>
chip_gen: v7x
topology: tpu7x:2x2x1
jax: 0.10.2.dev20260603
libtpu: 0.0.44.dev20260713+nightly
codegen_flags: <defaults>
</compile_context>

<pallas_src>
import math

import jax
import jax.numpy as jnp
from jax import lax
from jax.experimental import pallas as pl
from jax.experimental.pallas import tpu as pltpu
from jax.experimental.pallas import tpu_sc as plsc

_HEADS = 20
_L = 20
_DW = 300
_DE = 100
_M = 400
_ATT = 200
_NCAT = 1000
_EMBP = 128
_EPS = 1e-5
_BN_SCALE = 1.0 / math.sqrt(1.0 + 1e-5)


def _bf(x):
    return x.astype(jnp.bfloat16)


def _dot(a, b):
    return jnp.dot(_bf(a), _bf(b), preferred_element_type=jnp.float32)


def _ln(x, g, b):
    m = jnp.mean(x, axis=-1, keepdims=True)
    v = jnp.mean((x - m) * (x - m), axis=-1, keepdims=True)
    return (x - m) * lax.rsqrt(v + _EPS) * g + b


_GW = 128


def _sc_gather(table, idx):
    n = idx.shape[0]
    idx2 = idx.reshape(1, n)
    mesh = plsc.VectorSubcoreMesh(core_axis_name="core", subcore_axis_name="subcore")

    width = table.shape[1]

    @pl.kernel(out_type=jax.ShapeDtypeStruct((n, width), table.dtype), mesh=mesh)
    def gather_kernel(tab_hbm, i_hbm, o_hbm):
        def body(i_vmem, o_vmem):
            pltpu.sync_copy(tab_hbm.at[i_vmem.at[0]], o_vmem)

        pltpu.emit_pipeline(
            body,
            grid=(n // _GW,),
            in_specs=[pl.BlockSpec((1, _GW), index_map=lambda i: (0, i))],
            out_specs=[pl.BlockSpec((_GW, width), index_map=lambda i: (i, 0))],
            core_axis_name=("core", "subcore"),
            dimension_semantics=(pltpu.PARALLEL,),
        )(i_hbm, o_hbm)

    return gather_kernel(table, idx2)


def _addattn(x2d, w, b, qcol, mgrp, mgrpT):
    t = jnp.tanh(_dot(x2d, w) + b)
    lg = _dot(t, qcol)
    e = jnp.exp(lg - 20.0)
    z = _dot(mgrp, e)
    rz_rows = _dot(mgrpT, 1.0 / z)
    return _dot(mgrp, (e * rz_rows) * x2d)


def _branches_body(w_ref, e_ref, mseg, mexp, mgrp, mgrpT,
                   wq, bq, wk, bk, wv, bv,
                   ln1g, ln1b, waW, wab, waq, ln2g, ln2b,
                   gA, gW, gb, ln3g, ln3b, eaW, eab, eaq, ln4g, ln4b,
                   wrep_ref, erep_ref):
    bb = w_ref.shape[0]
    dh = _M // _HEADS
    x = w_ref[...].reshape(bb * _L, _DW)
    q = _dot(x, wq[...]) + bq[...]
    k = _dot(x, wk[...]) + bk[...]
    v = _dot(x, wv[...]) + bv[...]
    q3 = (q * (1.0 / math.sqrt(dh))).reshape(bb, _L, _M)
    k3 = k.reshape(bb, _L, _M)
    v3 = v.reshape(bb, _L, _M)
    shs = []
    for h in range(_HEADS):
        sl = slice(h * dh, (h + 1) * dh)
        shs.append(lax.dot_general(_bf(q3[:, :, sl]), _bf(k3[:, :, sl]),
                                   (((2,), (2,)), ((0,), (0,))),
                                   preferred_element_type=jnp.float32))
    ehs = [_bf(jnp.exp(jnp.minimum(sh, 60.0))) for sh in shs]
    outs = []
    for h in range(_HEADS):
        sl = slice(h * dh, (h + 1) * dh)
        outs.append(lax.dot_general(ehs[h], _bf(v3[:, :, sl]),
                                    (((2,), (1,)), ((0,), (0,))),
                                    preferred_element_type=jnp.float32))
    o_cat = jnp.concatenate(outs, axis=-1)
    e_cat = jnp.concatenate(ehs, axis=-1)
    z2d = jnp.dot(e_cat.reshape(bb * _L, _HEADS * _L), mseg[...],
                  preferred_element_type=jnp.float32)
    rz = 1.0 / jnp.maximum(z2d, 1e-30)
    rz_exp = jnp.dot(_bf(rz), mexp[...],
                     preferred_element_type=jnp.float32)
    we = o_cat.reshape(bb * _L, _M) * rz_exp
    we = _ln(we, ln1g[...], ln1b[...])
    wrep = _addattn(we, waW[...], wab[...], waq[...], mgrp[...], mgrpT[...])
    wrep_ref[...] = _ln(wrep, ln2g[...], ln2b[...])

    e3 = e_ref[...]
    a3 = jnp.broadcast_to(_bf(gA[...])[None], (bb, _L, _L))
    ei = lax.dot_general(a3, _bf(e3), (((2,), (1,)), ((0,), (0,))),
                         preferred_element_type=jnp.float32)
    h0 = jax.nn.relu(_dot(ei.reshape(bb * _L, _DE), gW[...]) + gb[...])
    h0 = _ln(h0, ln3g[...], ln3b[...])
    erep = _addattn(h0, eaW[...], eab[...], eaq[...], mgrp[...], mgrpT[...])
    erep_ref[...] = _ln(erep, ln4g[...], ln4b[...])


def _branches(word_embedding, entity_embedding, p, bb):
    b = word_embedding.shape[0]
    row = lambda v: v.reshape(1, -1)
    full = lambda a: pl.BlockSpec(a.shape, lambda i: (0,) * a.ndim)
    mseg = (jnp.arange(_HEADS * _L, dtype=jnp.int32)[:, None] // _L
            == jnp.arange(_HEADS, dtype=jnp.int32)[None, :]).astype(jnp.bfloat16)
    mexp = (jnp.arange(_HEADS, dtype=jnp.int32)[:, None]
            == jnp.arange(_M, dtype=jnp.int32)[None, :] // (_M // _HEADS)
            ).astype(jnp.bfloat16)
    mgrp = (jnp.arange(bb, dtype=jnp.int32)[:, None]
            == jnp.arange(bb * _L, dtype=jnp.int32)[None, :] // _L
            ).astype(jnp.bfloat16)
    weights = [mseg, mexp, mgrp, mgrp.T, p['Wq'], row(p['bq']), p['Wk'], row(p['bk']), p['Wv'], row(p['bv']),
               row(p['ln1_g']), row(p['ln1_b']), p['wa_W'], row(p['wa_b']),
               p['wa_q'].reshape(-1, 1), row(p['ln2_g']), row(p['ln2_b']),
               p['gcn_A'], p['gcn_W'], row(p['gcn_b']),
               row(p['ln3_g']), row(p['ln3_b']), p['ea_W'], row(p['ea_b']),
               p['ea_q'].reshape(-1, 1), row(p['ln4_g']), row(p['ln4_b'])]
    return pl.pallas_call(
        _branches_body,
        grid=(b // bb,),
        in_specs=[pl.BlockSpec((bb, _L, _DW), lambda i: (i, 0, 0)),
                  pl.BlockSpec((bb, _L, _DE), lambda i: (i, 0, 0))]
                 + [full(w) for w in weights],
        out_specs=[pl.BlockSpec((bb, _M), lambda i: (i, 0)),
                   pl.BlockSpec((bb, _M), lambda i: (i, 0))],
        out_shape=[jax.ShapeDtypeStruct((b, _M), jnp.float32),
                   jax.ShapeDtypeStruct((b, _M), jnp.float32)],
    )(word_embedding, entity_embedding, *weights)


def _fusion_body(wrep, erep, craw, sraw,
                 w1p, b1, g1, gb1, w2p, b2, g2, gb2,
                 naW, nab, naq, ln5g, ln5b, out):
    s1 = g1[...] * _BN_SCALE
    s2 = g2[...] * _BN_SCALE
    crep = _dot(craw[...], w1p[...] * s1) + (b1[...] * s1 + gb1[...])
    srep = _dot(sraw[...], w2p[...] * s2) + (b2[...] * s2 + gb2[...])
    reps = [wrep[...], erep[...], crep, srep]
    logits = []
    for r in reps:
        t = jnp.tanh(_dot(r, naW[...]) + nab[...])
        logits.append(jnp.sum(t * naq[...], axis=-1, keepdims=True))
    m = jnp.maximum(jnp.maximum(logits[0], logits[1]),
                    jnp.maximum(logits[2], logits[3]))
    exps = [jnp.exp(l - m) for l in logits]
    z = exps[0] + exps[1] + exps[2] + exps[3]
    fused = sum(e * r for e, r in zip(exps, reps)) / z
    out[...] = _ln(fused, ln5g[...], ln5b[...])


def _fusion(wrep, erep, craw, sraw, p, bb):
    b = wrep.shape[0]
    pad_w = lambda w: jnp.pad(w, ((0, _EMBP - _DE), (0, 0)))
    row = lambda v: v.reshape(1, -1)
    weights = [pad_w(p['fc1_W']), row(p['fc1_b']), row(p['bn1_g']), row(p['bn1_b']),
               pad_w(p['fc2_W']), row(p['fc2_b']), row(p['bn2_g']), row(p['bn2_b']),
               p['na_W'], row(p['na_b']), row(p['na_q']),
               row(p['ln5_g']), row(p['ln5_b'])]
    full = lambda a: pl.BlockSpec(a.shape, lambda i: (0,) * a.ndim)
    return pl.pallas_call(
        _fusion_body,
        grid=(b // bb,),
        in_specs=[pl.BlockSpec((bb, _M), lambda i: (i, 0))] * 2
                 + [pl.BlockSpec((bb, _EMBP), lambda i: (i, 0))] * 2
                 + [full(w) for w in weights],
        out_specs=pl.BlockSpec((bb, _M), lambda i: (i, 0)),
        out_shape=jax.ShapeDtypeStruct((b, _M), jnp.float32),
    )(wrep, erep, craw, sraw, *weights)


def kernel(word_embedding, entity_embedding, category_index, subcategory_index, params):
    b = word_embedding.shape[0]
    table = jnp.concatenate(
        [jnp.pad(params['emb1'], ((0, 0), (0, _EMBP - _DE))),
         jnp.pad(params['emb2'], ((0, 0), (0, _EMBP - _DE)))])
    idx = jnp.concatenate([category_index.astype(jnp.int32),
                           subcategory_index.astype(jnp.int32) + _NCAT])
    gathered = _sc_gather(table, idx)
    craw, sraw = gathered[:b], gathered[b:]
    wrep, erep = _branches(word_embedding, entity_embedding, params, bb=64)
    return _fusion(wrep, erep, craw, sraw, params, bb=512)

# --- scband reference (transcript-rebuilt; emitter-appended) ---
"""Pipeline reference for scband-recommender-80590766342882 (READ-ONLY COPY).

The authoritative reference and input builder live on the scoring server;
editing this copy changes nothing except your own understanding.
"""

import jax, jax.numpy as jnp
import numpy as np

HEADS = 20

def _k(i):
    return jax.random.fold_in(jax.random.key(0), i)

def layer_norm(x, g, b):
    m = jnp.mean(x, axis=-1, keepdims=True)
    v = jnp.var(x, axis=-1, keepdims=True)
    return (x - m) / jnp.sqrt(v + 1e-5) * g + b

def batch_norm_eval(x, g, b):
    # eval-mode BatchNorm1d with running_mean=0, running_var=1
    return x / jnp.sqrt(1.0 + 1e-5) * g + b

def additive_attention(x, W, b, q):
    t = jnp.tanh(x @ W + b)
    w = jax.nn.softmax(t @ q, axis=1)
    return jnp.einsum('bl,bld->bd', w, x)

def mhsa(x, Wq, bq, Wk, bk, Wv, bv, heads):
    B, L, _ = x.shape
    dout = Wq.shape[1]
    dh = dout // heads
    q = (x @ Wq + bq).reshape(B, L, heads, dh).transpose(0, 2, 1, 3)
    k = (x @ Wk + bk).reshape(B, L, heads, dh).transpose(0, 2, 1, 3)
    v = (x @ Wv + bv).reshape(B, L, heads, dh).transpose(0, 2, 1, 3)
    s = jnp.einsum('bhqd,bhkd->bhqk', q, k) / jnp.sqrt(float(dh))
    a = jax.nn.softmax(s, axis=-1)
    o = jnp.einsum('bhqk,bhkd->bhqd', a, v)
    return o.transpose(0, 2, 1, 3).reshape(B, L, dout)

def _forward(word_embedding, entity_embedding, category_index, subcategory_index, p):
    # category branch (embedding lookup -> fc -> BN, dropout off in eval)
    cat = p['emb1'][category_index]
    cat_rep = cat @ p['fc1_W'] + p['fc1_b']
    cat_rep = batch_norm_eval(cat_rep, p['bn1_g'], p['bn1_b'])
    # subcategory branch
    sub = p['emb2'][subcategory_index]
    sub_rep = sub @ p['fc2_W'] + p['fc2_b']
    sub_rep = batch_norm_eval(sub_rep, p['bn2_g'], p['bn2_b'])
    # word branch: multi-head self-attention -> LN -> additive attention -> LN
    we = mhsa(word_embedding, p['Wq'], p['bq'], p['Wk'], p['bk'], p['Wv'], p['bv'], HEADS)
    we = layer_norm(we, p['ln1_g'], p['ln1_b'])
    word_rep = additive_attention(we, p['wa_W'], p['wa_b'], p['wa_q'])
    word_rep = layer_norm(word_rep, p['ln2_g'], p['ln2_b'])
    # entity branch: GCN (learned adjacency + projection) -> LN -> additive attention -> LN
    ei = jnp.einsum('st,btd->bsd', p['gcn_A'], entity_embedding)
    ei = jax.nn.relu(ei @ p['gcn_W'] + p['gcn_b'])
    ei = layer_norm(ei, p['ln3_g'], p['ln3_b'])
    entity_rep = additive_attention(ei, p['ea_W'], p['ea_b'], p['ea_q'])
    entity_rep = layer_norm(entity_rep, p['ln4_g'], p['ln4_b'])
    # fuse the 4 views with additive attention
    new_rep = jnp.stack([word_rep, entity_rep, cat_rep, sub_rep], axis=1)
    new_rep = additive_attention(new_rep, p['na_W'], p['na_b'], p['na_q'])
    return layer_norm(new_rep, p['ln5_g'], p['ln5_b'])

def setup_inputs():
    MULTI = 400
    params = {
        'emb1': jax.random.normal(_k(1), (1000, 100), dtype=jnp.float32) * 0.05,
        'emb2': jax.random.normal(_k(2), (1000, 100), dtype=jnp.float32) * 0.05,
        'fc1_W': jax.random.normal(_k(3), (100, MULTI), dtype=jnp.float32) * 0.05,
        'fc1_b': jnp.zeros((MULTI,), jnp.float32),
        'fc2_W': jax.random.normal(_k(4), (100, MULTI), dtype=jnp.float32) * 0.05,
        'fc2_b': jnp.zeros((MULTI,), jnp.float32),
        'bn1_g': jnp.ones((MULTI,), jnp.float32), 'bn1_b': jnp.zeros((MULTI,), jnp.float32),
        'bn2_g': jnp.ones((MULTI,), jnp.float32), 'bn2_b': jnp.zeros((MULTI,), jnp.float32),
        'Wq': jax.random.normal(_k(5), (300, MULTI), dtype=jnp.float32) * 0.05,
        'bq': jnp.zeros((MULTI,), jnp.float32),
        'Wk': jax.random.normal(_k(6), (300, MULTI), dtype=jnp.float32) * 0.05,
        'bk': jnp.zeros((MULTI,), jnp.float32),
        'Wv': jax.random.normal(_k(7), (300, MULTI), dtype=jnp.float32) * 0.05,
        'bv': jnp.zeros((MULTI,), jnp.float32),
        'wa_W': jax.random.normal(_k(8), (MULTI, 200), dtype=jnp.float32) * 0.05,
        'wa_b': jnp.zeros((200,), jnp.float32),
        'wa_q': jax.random.normal(_k(9), (200,), dtype=jnp.float32) * 0.05,
        'gcn_A': jax.random.normal(_k(10), (20, 20), dtype=jnp.float32) * 0.05,
        'gcn_W': jax.random.normal(_k(11), (100, MULTI), dtype=jnp.float32) * 0.05,
        'gcn_b': jnp.zeros((MULTI,), jnp.float32),
        'ea_W': jax.random.normal(_k(12), (MULTI, 200), dtype=jnp.float32) * 0.05,
        'ea_b': jnp.zeros((200,), jnp.float32),
        'ea_q': jax.random.normal(_k(13), (200,), dtype=jnp.float32) * 0.05,
        'na_W': jax.random.normal(_k(14), (MULTI, 200), dtype=jnp.float32) * 0.05,
        'na_b': jnp.zeros((200,), jnp.float32),
        'na_q': jax.random.normal(_k(15), (200,), dtype=jnp.float32) * 0.05,
    }
    for i in range(1, 6):
        params['ln%d_g' % i] = jnp.ones((MULTI,), jnp.float32)
        params['ln%d_b' % i] = jnp.zeros((MULTI,), jnp.float32)
    return {
        'word_embedding': jax.random.normal(_k(20), (4096, 20, 300), dtype=jnp.float32),
        'entity_embedding': jax.random.normal(_k(21), (4096, 20, 100), dtype=jnp.float32),
        'category_index': jax.random.randint(_k(22), (4096,), 0, 1000, dtype=jnp.int64) if jax.config.jax_enable_x64 else jax.random.randint(_k(22), (4096,), 0, 1000).astype(jnp.int32),
        'subcategory_index': jax.random.randint(_k(23), (4096,), 0, 1000, dtype=jnp.int64) if jax.config.jax_enable_x64 else jax.random.randint(_k(23), (4096,), 0, 1000).astype(jnp.int32),
        'params': params,
    }

def reference(word_embedding, entity_embedding, category_index, subcategory_index, params):
    return _forward(word_embedding, entity_embedding, category_index, subcategory_index, params)

if __name__ == "__main__":
    import jax
    _d = setup_inputs()
    print(jax.jit(kernel)(*tuple(_d.values())))

</pallas_src>

<mosaic_0001>
#map = affine_map<(d0, d1) -> (0, 0)>
module attributes {stable_mosaic.version = 14 : i64} {
  func.func @gather_kernel(%arg0: i32, %arg1: i32, %arg2: memref<2000x128xf32, #tpu.memory_space<hbm>>, %arg3: memref<1x8192xi32, #tpu.memory_space<hbm>>, %arg4: memref<8192x128xf32, #tpu.memory_space<hbm>>) attributes {dimension_semantics = [#tpu.dimension_semantics<core_parallel>, #tpu.dimension_semantics<subcore_parallel>], iteration_bounds = array<i64: 2, 16>, scalar_prefetch = 0 : i64, scratch_operands = 0 : i64, tpu.core_type = #tpu.core_type<sc_vector_subcore>, window_params = [{transform_indices = #map}, {transform_indices = #map}, {transform_indices = #map}]} {
    %mul3A = arith.constant 1 : i32
    %mul3A_0 = arith.muli %arg1, %mul3A : i32
    %add3A = arith.constant 0 : i32
    %add3A_1 = arith.addi %add3A, %mul3A_0 : i32
    %mul3A_2 = arith.constant 16 : i32
    %mul3A_3 = arith.muli %arg0, %mul3A_2 : i32
    %add3A_4 = arith.addi %add3A_1, %mul3A_3 : i32
    %mul3A_5 = arith.constant 2 : i32
    %mul3A_6 = arith.muli %add3A_4, %mul3A_5 : i32
    "tpu.region"() ({
      %run_scoped3A = memref.alloca() : memref<2x1x128xi32, #tpu.memory_space<vmem>>
      %run_scoped3A_7 = tpu.sem_alloc : memref<2x!tpu.dma_semaphore, #tpu.memory_space<semaphore_mem>>
      %run_scoped3A_8 = memref.alloca() : memref<2x128x128xf32, #tpu.memory_space<vmem>>
      %run_scoped3A_9 = tpu.sem_alloc : memref<2x!tpu.dma_semaphore, #tpu.memory_space<semaphore_mem>>
      %add3A_10 = arith.constant 0 : i32
      %add3A_11 = arith.addi %add3A_10, %mul3A_6 : i32
      %select_n3A = arith.constant true
      %select_n3A_12 = arith.constant 0 : i32
      %select_n3A_13 = arith.constant -1 : i32
      %select_n3A_14 = arith.select %select_n3A, %select_n3A_13, %select_n3A_12 : i32
      %eq3A = arith.constant -1 : i32
      %eq3A_15 = arith.cmpi eq, %select_n3A_14, %eq3A : i32
      %select_n3A_16 = arith.constant 1 : i32
      %select_n3A_17 = arith.select %eq3A_15, %select_n3A_16, %select_n3A_14 : i32
      %add3A_18 = arith.addi %select_n3A_17, %mul3A_6 : i32
      %select_n3A_19 = arith.constant true
      %select_n3A_20 = arith.constant 0 : i32
      %select_n3A_21 = arith.constant 1 : i32
      %select_n3A_22 = arith.select %select_n3A_19, %select_n3A_21, %select_n3A_20 : i32
      %eq3A_23 = arith.constant 2 : i32
      %eq3A_24 = arith.cmpi eq, %select_n3A_22, %eq3A_23 : i32
      %select_n3A_25 = arith.constant 0 : i32
      %select_n3A_26 = arith.select %eq3A_24, %select_n3A_25, %select_n3A_22 : i32
      %add3A_27 = arith.addi %select_n3A_26, %mul3A_6 : i32
      %add3A_28 = arith.constant 1 : i32
      %add3A_29 = arith.addi %select_n3A_26, %add3A_28 : i32
      %select_n3A_30 = arith.constant true
      %select_n3A_31 = arith.select %select_n3A_30, %add3A_29, %select_n3A_26 : i32
      %eq3A_32 = arith.constant 2 : i32
      %eq3A_33 = arith.cmpi eq, %select_n3A_31, %eq3A_32 : i32
      %select_n3A_34 = arith.constant 0 : i32
      %select_n3A_35 = arith.select %eq3A_33, %select_n3A_34, %select_n3A_31 : i32
      %add3A_36 = arith.addi %select_n3A_35, %mul3A_6 : i32
      "tpu.trace_start"() <{level = 10 : i32, message = "ep_initialize_0"}> : () -> ()
      %rem3A = arith.constant 0 : i32
      %rem3A_37 = arith.constant 2 : i32
      %rem3A_38 = arith.remui %rem3A, %rem3A_37 : i32
      %mul3A_39 = arith.constant 128 : i32
      %mul3A_40 = arith.muli %mul3A_39, %add3A_11 : i32
      %dma_start3A = arith.constant 0 : i32
      %dma_start3A_41 = arith.constant 0 : i32
      %dma_start3A_42 = tpu.memref_slice %run_scoped3A[%rem3A_38, %dma_start3A, %dma_start3A_41] : memref<2x1x128xi32, #tpu.memory_space<vmem>> -> memref<1x1x128xi32, #tpu.memory_space<vmem>>
      %dma_start3A_43 = tpu.memref_squeeze %dma_start3A_42 : memref<1x1x128xi32, #tpu.memory_space<vmem>> -> memref<1x128xi32, #tpu.memory_space<vmem>>
      %dma_start3A_44 = arith.constant 0 : i32
      %dma_start3A_45 = tpu.memref_slice %arg3[%dma_start3A_44, %mul3A_40] : memref<1x8192xi32, #tpu.memory_space<hbm>> -> memref<1x128xi32, #tpu.memory_space<hbm>>
      %dma_start3A_46 = tpu.memref_slice %run_scoped3A_7[%rem3A_38] : memref<2x!tpu.dma_semaphore, #tpu.memory_space<semaphore_mem>> -> memref<1x!tpu.dma_semaphore, #tpu.memory_space<semaphore_mem>>
      %dma_start3A_47 = tpu.memref_squeeze %dma_start3A_46 : memref<1x!tpu.dma_semaphore, #tpu.memory_space<semaphore_mem>> -> memref<!tpu.dma_semaphore, #tpu.memory_space<semaphore_mem>>
      %dma_start3A_48 = arith.constant 0 : i32
      %dma_start3A_49 = arith.constant 0 : i32
      %dma_start3A_50 = tpu.memref_slice %run_scoped3A[%rem3A_38, %dma_start3A_48, %dma_start3A_49] : memref<2x1x128xi32, #tpu.memory_space<vmem>> -> memref<1x1x128xi32, #tpu.memory_space<vmem>>
      %dma_start3A_51 = tpu.memref_squeeze %dma_start3A_50 : memref<1x1x128xi32, #tpu.memory_space<vmem>> -> memref<1x128xi32, #tpu.memory_space<vmem>>
      %dma_start3A_52 = arith.constant 0 : i32
      %dma_start3A_53 = tpu.memref_slice %arg3[%dma_start3A_52, %mul3A_40] : memref<1x8192xi32, #tpu.memory_space<hbm>> -> memref<1x128xi32, #tpu.memory_space<hbm>>
      tpu.enqueue_dma source(%dma_start3A_53 : memref<1x128xi32, #tpu.memory_space<hbm>>) target(%dma_start3A_51 : memref<1x128xi32, #tpu.memory_space<vmem>>) target_semaphore(%dma_start3A_47 : memref<!tpu.dma_semaphore, #tpu.memory_space<semaphore_mem>>)
      %add3A_54 = arith.constant 0 : i32
      %add3A_55 = arith.constant 1 : i32
      %add3A_56 = arith.addi %add3A_54, %add3A_55 : i32
      %select_n3A_57 = arith.constant true
      %select_n3A_58 = arith.constant 0 : i32
      %select_n3A_59 = arith.select %select_n3A_57, %add3A_56, %select_n3A_58 : i32
      "tpu.trace_stop"() : () -> ()
      %scan3A = arith.constant 0 : i32
      %scan3A_60 = arith.constant 0 : i32
      %scan3A_61 = arith.constant 0 : i32
      %scan3A_62 = arith.constant 0 : i32
      %scan3A_63 = arith.constant 0 : i32
      %scan3A_64 = arith.constant 2 : i32
      %scan3A_65 = arith.addi %scan3A_63, %scan3A_64 : i32
      %scan3A_66 = arith.constant 1 : i32
      %scan3A_67:5 = scf.for %scan3A_121 = %scan3A_63 to %scan3A_65 step %scan3A_66 iter_args(%scan3A_122 = %select_n3A_59, %scan3A_123 = %scan3A, %scan3A_124 = %scan3A_60, %scan3A_125 = %scan3A_61, %scan3A_126 = %scan3A_62) -> (i32, i32, i32, i32, i32)  : i32 {
        %eq3A_127 = arith.constant 0 : i32
        %eq3A_128 = arith.cmpi eq, %scan3A_121, %eq3A_127 : i32
        %eq3A_129 = arith.constant 1 : i32
        %eq3A_130 = arith.cmpi eq, %scan3A_121, %eq3A_129 : i32
        %add3A_131 = arith.addi %scan3A_126, %mul3A_6 : i32
        %sub3A_132 = arith.constant 1 : i32
        %sub3A_133 = arith.subi %scan3A_126, %sub3A_132 : i32
        %select_n3A_134 = arith.constant true
        %select_n3A_135 = arith.select %select_n3A_134, %sub3A_133, %scan3A_126 : i32
        %eq3A_136 = arith.constant -1 : i32
        %eq3A_137 = arith.cmpi eq, %select_n3A_135, %eq3A_136 : i32
        %select_n3A_138 = arith.constant 1 : i32
        %select_n3A_139 = arith.select %eq3A_137, %select_n3A_138, %select_n3A_135 : i32
        %add3A_140 = arith.addi %select_n3A_139, %mul3A_6 : i32
        %add3A_141 = arith.constant 1 : i32
        %add3A_142 = arith.addi %scan3A_126, %add3A_141 : i32
        %select_n3A_143 = arith.constant true
        %select_n3A_144 = arith.select %select_n3A_143, %add3A_142, %scan3A_126 : i32
        %eq3A_145 = arith.constant 2 : i32
        %eq3A_146 = arith.cmpi eq, %select_n3A_144, %eq3A_145 : i32
        %select_n3A_147 = arith.constant 0 : i32
        %select_n3A_148 = arith.select %eq3A_146, %select_n3A_147, %select_n3A_144 : i32
        %add3A_149 = arith.addi %select_n3A_148, %mul3A_6 : i32
        %add3A_150 = arith.constant 1 : i32
        %add3A_151 = arith.addi %select_n3A_148, %add3A_150 : i32
        %select_n3A_152 = arith.constant true
        %select_n3A_153 = arith.select %select_n3A_152, %add3A_151, %select_n3A_148 : i32
        %eq3A_154 = arith.constant 2 : i32
        %eq3A_155 = arith.cmpi eq, %select_n3A_153, %eq3A_154 : i32
        %select_n3A_156 = arith.constant 0 : i32
        %select_n3A_157 = arith.select %eq3A_155, %select_n3A_156, %select_n3A_153 : i32
        %add3A_158 = arith.addi %select_n3A_157, %mul3A_6 : i32
        %ne3A = arith.cmpi ne, %add3A_131, %add3A_149 : i32
        %or3A = arith.constant false
        %or3A_159 = arith.ori %or3A, %ne3A : i1
        %ge3A = arith.constant 1 : i32
        %ge3A_160 = arith.cmpi sge, %scan3A_121, %ge3A : i32
        %not3A = arith.constant true
        %not3A_161 = arith.xori %ge3A_160, %not3A : i1
        %and3A = arith.andi %or3A_159, %not3A_161 : i1
        %convert_element_type3A = arith.extui %and3A : i1 to i32
        %cond3A = arith.constant 0 : i32
        %cond3A_162 = arith.cmpi ne, %convert_element_type3A, %cond3A : i32
        scf.if %cond3A_162 {
          "tpu.trace_start"() <{level = 10 : i32, message = "ep_copy_in"}> : () -> ()
          %rem3A_264 = arith.constant 2 : i32
          %rem3A_265 = arith.remui %scan3A_122, %rem3A_264 : i32
          %mul3A_266 = arith.constant 128 : i32
          %mul3A_267 = arith.muli %mul3A_266, %add3A_149 : i32
          %dma_start3A_268 = arith.constant 0 : i32
          %dma_start3A_269 = arith.constant 0 : i32
          %dma_start3A_270 = tpu.memref_slice %run_scoped3A[%rem3A_265, %dma_start3A_268, %dma_start3A_269] : memref<2x1x128xi32, #tpu.memory_space<vmem>> -> memref<1x1x128xi32, #tpu.memory_space<vmem>>
          %dma_start3A_271 = tpu.memref_squeeze %dma_start3A_270 : memref<1x1x128xi32, #tpu.memory_space<vmem>> -> memref<1x128xi32, #tpu.memory_space<vmem>>
          %dma_start3A_272 = arith.constant 0 : i32
          %dma_start3A_273 = tpu.memref_slice %arg3[%dma_start3A_272, %mul3A_267] : memref<1x8192xi32, #tpu.memory_space<hbm>> -> memref<1x128xi32, #tpu.memory_space<hbm>>
          %dma_start3A_274 = tpu.memref_slice %run_scoped3A_7[%rem3A_265] : memref<2x!tpu.dma_semaphore, #tpu.memory_space<semaphore_mem>> -> memref<1x!tpu.dma_semaphore, #tpu.memory_space<semaphore_mem>>
          %dma_start3A_275 = tpu.memref_squeeze %dma_start3A_274 : memref<1x!tpu.dma_semaphore, #tpu.memory_space<semaphore_mem>> -> memref<!tpu.dma_semaphore, #tpu.memory_space<semaphore_mem>>
          %dma_start3A_276 = arith.constant 0 : i32
          %dma_start3A_277 = arith.constant 0 : i32
          %dma_start3A_278 = tpu.memref_slice %run_scoped3A[%rem3A_265, %dma_start3A_276, %dma_start3A_277] : memref<2x1x128xi32, #tpu.memory_space<vmem>> -> memref<1x1x128xi32, #tpu.memory_space<vmem>>
          %dma_start3A_279 = tpu.memref_squeeze %dma_start3A_278 : memref<1x1x128xi32, #tpu.memory_space<vmem>> -> memref<1x128xi32, #tpu.memory_space<vmem>>
          %dma_start3A_280 = arith.constant 0 : i32
          %dma_start3A_281 = tpu.memref_slice %arg3[%dma_start3A_280, %mul3A_267] : memref<1x8192xi32, #tpu.memory_space<hbm>> -> memref<1x128xi32, #tpu.memory_space<hbm>>
          tpu.enqueue_dma source(%dma_start3A_281 : memref<1x128xi32, #tpu.memory_space<hbm>>) target(%dma_start3A_279 : memref<1x128xi32, #tpu.memory_space<vmem>>) target_semaphore(%dma_start3A_275 : memref<!tpu.dma_semaphore, #tpu.memory_space<semaphore_mem>>)
          "tpu.trace_stop"() : () -> ()
        } else {
        }
        %and3A_163 = arith.constant true
        %and3A_164 = arith.andi %and3A, %and3A_163 : i1
        %add3A_165 = arith.constant 1 : i32
        %add3A_166 = arith.addi %scan3A_122, %add3A_165 : i32
        %select_n3A_167 = arith.select %and3A_164, %add3A_166, %scan3A_122 : i32
        %ne3A_168 = arith.cmpi ne, %add3A_131, %add3A_149 : i32
        %or3A_169 = arith.constant false
        %or3A_170 = arith.ori %or3A_169, %ne3A_168 : i1
        %or3A_171 = arith.constant false
        %or3A_172 = arith.ori %or3A_170, %or3A_171 : i1
        %ge3A_173 = arith.constant 1 : i32
        %ge3A_174 = arith.cmpi sge, %scan3A_121, %ge3A_173 : i32
        %not3A_175 = arith.constant true
        %not3A_176 = arith.xori %ge3A_174, %not3A_175 : i1
        %and3A_177 = arith.andi %or3A_172, %not3A_176 : i1
        %ne3A_178 = arith.cmpi ne, %add3A_131, %add3A_140 : i32
        %or3A_179 = arith.constant false
        %or3A_180 = arith.ori %or3A_179, %ne3A_178 : i1
        %or3A_181 = arith.ori %or3A_180, %eq3A_128 : i1
        %convert_element_type3A_182 = arith.extui %or3A_181 : i1 to i32
        %cond3A_183 = arith.constant 0 : i32
        %cond3A_184 = arith.cmpi ne, %convert_element_type3A_182, %cond3A_183 : i32
        scf.if %cond3A_184 {
          "tpu.trace_start"() <{level = 10 : i32, message = "ep_wait_in"}> : () -> ()
          %mul3A_264 = arith.constant 128 : i32
          %mul3A_265 = arith.muli %mul3A_264, %add3A_131 : i32
          %rem3A_266 = arith.constant 2 : i32
          %rem3A_267 = arith.remui %scan3A_123, %rem3A_266 : i32
          %dma_wait3A_268 = arith.constant 0 : i32
          %dma_wait3A_269 = arith.constant 0 : i32
          %dma_wait3A_270 = tpu.memref_slice %run_scoped3A[%rem3A_267, %dma_wait3A_268, %dma_wait3A_269] : memref<2x1x128xi32, #tpu.memory_space<vmem>> -> memref<1x1x128xi32, #tpu.memory_space<vmem>>
          %dma_wait3A_271 = tpu.memref_squeeze %dma_wait3A_270 : memref<1x1x128xi32, #tpu.memory_space<vmem>> -> memref<1x128xi32, #tpu.memory_space<vmem>>
          %dma_wait3A_272 = arith.constant 0 : i32
          %dma_wait3A_273 = tpu.memref_slice %arg3[%dma_wait3A_272, %mul3A_265] : memref<1x8192xi32, #tpu.memory_space<hbm>> -> memref<1x128xi32, #tpu.memory_space<hbm>>
          %dma_wait3A_274 = tpu.memref_slice %run_scoped3A_7[%rem3A_267] : memref<2x!tpu.dma_semaphore, #tpu.memory_space<semaphore_mem>> -> memref<1x!tpu.dma_semaphore, #tpu.memory_space<semaphore_mem>>
          %dma_wait3A_275 = tpu.memref_squeeze %dma_wait3A_274 : memref<1x!tpu.dma_semaphore, #tpu.memory_space<semaphore_mem>> -> memref<!tpu.dma_semaphore, #tpu.memory_space<semaphore_mem>>
          %dma_wait3A_276 = arith.constant 0 : i32
          %dma_wait3A_277 = arith.constant 0 : i32
          %dma_wait3A_278 = tpu.memref_slice %run_scoped3A[%rem3A_267, %dma_wait3A_276, %dma_wait3A_277] : memref<2x1x128xi32, #tpu.memory_space<vmem>> -> memref<1x1x128xi32, #tpu.memory_space<vmem>>
          %dma_wait3A_279 = tpu.memref_squeeze %dma_wait3A_278 : memref<1x1x128xi32, #tpu.memory_space<vmem>> -> memref<1x128xi32, #tpu.memory_space<vmem>>
          %dma_wait3A_280 = arith.constant 0 : i32
          %dma_wait3A_281 = tpu.memref_slice %arg3[%dma_wait3A_280, %mul3A_265] : memref<1x8192xi32, #tpu.memory_space<hbm>> -> memref<1x128xi32, #tpu.memory_space<hbm>>
          tpu.wait_dma2 semaphore(%dma_wait3A_275 : memref<!tpu.dma_semaphore, #tpu.memory_space<semaphore_mem>>) src(%dma_wait3A_281 : memref<1x128xi32, #tpu.memory_space<hbm>>) dst(%dma_wait3A_279 : memref<1x128xi32, #tpu.memory_space<vmem>>)
          "tpu.trace_stop"() : () -> ()
        } else {
        }
        %ne3A_185 = arith.cmpi ne, %add3A_131, %add3A_140 : i32
        %or3A_186 = arith.constant false
        %or3A_187 = arith.ori %or3A_186, %ne3A_185 : i1
        %or3A_188 = arith.constant false
        %or3A_189 = arith.ori %or3A_187, %or3A_188 : i1
        %or3A_190 = arith.ori %or3A_189, %eq3A_128 : i1
        %convert_element_type3A_191 = arith.extui %or3A_190 : i1 to i32
        %cond3A_192 = arith.constant 0 : i32
        %cond3A_193 = arith.cmpi ne, %convert_element_type3A_191, %cond3A_192 : i32
        scf.if %cond3A_193 {
        } else {
        }
        %rem3A_194 = arith.constant 2 : i32
        %rem3A_195 = arith.remui %scan3A_123, %rem3A_194 : i32
        %rem3A_196 = arith.constant 2 : i32
        %rem3A_197 = arith.remui %scan3A_124, %rem3A_196 : i32
        %run_scoped3A_198 = arith.constant 0 : i32
        "tpu.trace_start"() <{level = 10 : i32, message = "ep_run_kernel"}> : () -> ()
        "tpu.region"() ({
          %run_scoped3A_264 = tpu.sem_alloc : memref<!tpu.dma_semaphore, #tpu.memory_space<semaphore_mem>>
          %dma_start3A_265 = arith.constant 0 : i32
          %dma_start3A_266 = arith.constant 0 : i32
          %dma_start3A_267 = tpu.memref_slice %run_scoped3A_8[%rem3A_197, %dma_start3A_265, %dma_start3A_266] : memref<2x128x128xf32, #tpu.memory_space<vmem>> -> memref<1x128x128xf32, #tpu.memory_space<vmem>>
          %dma_start3A_268 = tpu.memref_squeeze %dma_start3A_267 : memref<1x128x128xf32, #tpu.memory_space<vmem>> -> memref<128x128xf32, #tpu.memory_space<vmem>>
          %dma_start3A_269 = arith.constant 0 : i32
          %dma_start3A_270 = arith.constant 0 : i32
          %dma_start3A_271 = tpu.memref_slice %run_scoped3A[%rem3A_195, %dma_start3A_269, %dma_start3A_270] : memref<2x1x128xi32, #tpu.memory_space<vmem>> -> memref<1x1x128xi32, #tpu.memory_space<vmem>>
          %dma_start3A_272 = tpu.memref_squeeze %dma_start3A_271 : memref<1x1x128xi32, #tpu.memory_space<vmem>> -> memref<1x128xi32, #tpu.memory_space<vmem>>
          %dma_start3A_273 = arith.constant 0 : i32
          %dma_start3A_274 = tpu.memref_slice %dma_start3A_272[%run_scoped3A_198, %dma_start3A_273] : memref<1x128xi32, #tpu.memory_space<vmem>> -> memref<1x128xi32, #tpu.memory_space<vmem>>
          %dma_start3A_275 = tpu.memref_squeeze %dma_start3A_274 : memref<1x128xi32, #tpu.memory_space<vmem>> -> memref<128xi32, #tpu.memory_space<vmem>>
          %dma_start3A_276 = arith.constant 0 : i32
          %dma_start3A_277 = arith.constant 0 : i32
          %dma_start3A_278 = tpu.memref_slice %arg2[%dma_start3A_276, %dma_start3A_277] : memref<2000x128xf32, #tpu.memory_space<hbm>> -> memref<2000x128xf32, #tpu.memory_space<hbm>>
          tpu.enqueue_indirect_dma source(%dma_start3A_278 : memref<2000x128xf32, #tpu.memory_space<hbm>>) target(%dma_start3A_268 : memref<128x128xf32, #tpu.memory_space<vmem>>) offsets(%dma_start3A_275 : memref<128xi32, #tpu.memory_space<vmem>>) semaphore(%run_scoped3A_264 : memref<!tpu.dma_semaphore, #tpu.memory_space<semaphore_mem>>)
          %dma_wait3A_279 = arith.constant 0 : i32
          %dma_wait3A_280 = arith.constant 0 : i32
          %dma_wait3A_281 = tpu.memref_slice %run_scoped3A_8[%rem3A_197, %dma_wait3A_279, %dma_wait3A_280] : memref<2x128x128xf32, #tpu.memory_space<vmem>> -> memref<1x128x128xf32, #tpu.memory_space<vmem>>
          %dma_wait3A_282 = tpu.memref_squeeze %dma_wait3A_281 : memref<1x128x128xf32, #tpu.memory_space<vmem>> -> memref<128x128xf32, #tpu.memory_space<vmem>>
          %dma_wait3A_283 = arith.constant 0 : i32
          %dma_wait3A_284 = arith.constant 0 : i32
          %dma_wait3A_285 = tpu.memref_slice %run_scoped3A[%rem3A_195, %dma_wait3A_283, %dma_wait3A_284] : memref<2x1x128xi32, #tpu.memory_space<vmem>> -> memref<1x1x128xi32, #tpu.memory_space<vmem>>
          %dma_wait3A_286 = tpu.memref_squeeze %dma_wait3A_285 : memref<1x1x128xi32, #tpu.memory_space<vmem>> -> memref<1x128xi32, #tpu.memory_space<vmem>>
          %dma_wait3A_287 = arith.constant 0 : i32
          %dma_wait3A_288 = tpu.memref_slice %dma_wait3A_286[%run_scoped3A_198, %dma_wait3A_287] : memref<1x128xi32, #tpu.memory_space<vmem>> -> memref<1x128xi32, #tpu.memory_space<vmem>>
          %dma_wait3A_289 = tpu.memref_squeeze %dma_wait3A_288 : memref<1x128xi32, #tpu.memory_space<vmem>> -> memref<128xi32, #tpu.memory_space<vmem>>
          %dma_wait3A_290 = arith.constant 0 : i32
          %dma_wait3A_291 = arith.constant 0 : i32
          %dma_wait3A_292 = tpu.memref_slice %arg2[%dma_wait3A_290, %dma_wait3A_291] : memref<2000x128xf32, #tpu.memory_space<hbm>> -> memref<2000x128xf32, #tpu.memory_space<hbm>>
          tpu.wait_indirect_dma semaphore(%run_scoped3A_264 : memref<!tpu.dma_semaphore, #tpu.memory_space<semaphore_mem>>) src(%dma_wait3A_292 : memref<2000x128xf32, #tpu.memory_space<hbm>>) dst(%dma_wait3A_282 : memref<128x128xf32, #tpu.memory_space<vmem>>)
          tpu.yield
        }) : () -> ()
        "tpu.trace_stop"() : () -> ()
        %ne3A_199 = arith.cmpi ne, %add3A_131, %add3A_149 : i32
        %or3A_200 = arith.constant false
        %or3A_201 = arith.ori %or3A_200, %ne3A_199 : i1
        %or3A_202 = arith.ori %or3A_201, %eq3A_130 : i1
        %convert_element_type3A_203 = arith.extui %or3A_202 : i1 to i32
        %cond3A_204 = arith.constant 0 : i32
        %cond3A_205 = arith.cmpi ne, %convert_element_type3A_203, %cond3A_204 : i32
        scf.if %cond3A_205 {
        } else {
        }
        %and3A_206 = arith.constant false
        %and3A_207 = arith.andi %or3A_202, %and3A_206 : i1
        %ne3A_208 = arith.cmpi ne, %add3A_131, %add3A_149 : i32
        %or3A_209 = arith.constant false
        %or3A_210 = arith.ori %or3A_209, %ne3A_208 : i1
        %or3A_211 = arith.constant false
        %or3A_212 = arith.ori %or3A_210, %or3A_211 : i1
        %or3A_213 = arith.ori %or3A_212, %eq3A_130 : i1
        %convert_element_type3A_214 = arith.extui %or3A_213 : i1 to i32
        %cond3A_215 = arith.constant 0 : i32
        %cond3A_216 = arith.cmpi ne, %convert_element_type3A_214, %cond3A_215 : i32
        scf.if %cond3A_216 {
          "tpu.trace_start"() <{level = 10 : i32, message = "ep_copy_out"}> : () -> ()
          %rem3A_264 = arith.constant 2 : i32
          %rem3A_265 = arith.remui %scan3A_124, %rem3A_264 : i32
          %mul3A_266 = arith.constant 128 : i32
          %mul3A_267 = arith.muli %mul3A_266, %add3A_131 : i32
          %dma_start3A_268 = arith.constant 0 : i32
          %dma_start3A_269 = arith.constant 0 : i32
          %dma_start3A_270 = tpu.memref_slice %run_scoped3A_8[%rem3A_265, %dma_start3A_268, %dma_start3A_269] : memref<2x128x128xf32, #tpu.memory_space<vmem>> -> memref<1x128x128xf32, #tpu.memory_space<vmem>>
          %dma_start3A_271 = tpu.memref_squeeze %dma_start3A_270 : memref<1x128x128xf32, #tpu.memory_space<vmem>> -> memref<128x128xf32, #tpu.memory_space<vmem>>
          %dma_start3A_272 = arith.constant 0 : i32
          %dma_start3A_273 = tpu.memref_slice %arg4[%mul3A_267, %dma_start3A_272] : memref<8192x128xf32, #tpu.memory_space<hbm>> -> memref<128x128xf32, #tpu.memory_space<hbm>>
          %dma_start3A_274 = tpu.memref_slice %run_scoped3A_9[%rem3A_265] : memref<2x!tpu.dma_semaphore, #tpu.memory_space<semaphore_mem>> -> memref<1x!tpu.dma_semaphore, #tpu.memory_space<semaphore_mem>>
          %dma_start3A_275 = tpu.memref_squeeze %dma_start3A_274 : memref<1x!tpu.dma_semaphore, #tpu.memory_space<semaphore_mem>> -> memref<!tpu.dma_semaphore, #tpu.memory_space<semaphore_mem>>
          %dma_start3A_276 = arith.constant 0 : i32
          %dma_start3A_277 = tpu.memref_slice %arg4[%mul3A_267, %dma_start3A_276] : memref<8192x128xf32, #tpu.memory_space<hbm>> -> memref<128x128xf32, #tpu.memory_space<hbm>>
          %dma_start3A_278 = arith.constant 0 : i32
          %dma_start3A_279 = arith.constant 0 : i32
          %dma_start3A_280 = tpu.memref_slice %run_scoped3A_8[%rem3A_265, %dma_start3A_278, %dma_start3A_279] : memref<2x128x128xf32, #tpu.memory_space<vmem>> -> memref<1x128x128xf32, #tpu.memory_space<vmem>>
          %dma_start3A_281 = tpu.memref_squeeze %dma_start3A_280 : memref<1x128x128xf32, #tpu.memory_space<vmem>> -> memref<128x128xf32, #tpu.memory_space<vmem>>
          tpu.enqueue_dma source(%dma_start3A_281 : memref<128x128xf32, #tpu.memory_space<vmem>>) target(%dma_start3A_277 : memref<128x128xf32, #tpu.memory_space<hbm>>) target_semaphore(%dma_start3A_275 : memref<!tpu.dma_semaphore, #tpu.memory_space<semaphore_mem>>)
          "tpu.trace_stop"() : () -> ()
        } else {
        }
        %and3A_217 = arith.constant true
        %and3A_218 = arith.andi %or3A_213, %and3A_217 : i1
        %add3A_219 = arith.constant 1 : i32
        %add3A_220 = arith.addi %scan3A_124, %add3A_219 : i32
        %select_n3A_221 = arith.select %and3A_218, %add3A_220, %scan3A_124 : i32
        %ne3A_222 = arith.cmpi ne, %add3A_131, %add3A_140 : i32
        %or3A_223 = arith.constant false
        %or3A_224 = arith.ori %or3A_223, %ne3A_222 : i1
        %not3A_225 = arith.constant true
        %not3A_226 = arith.xori %eq3A_128, %not3A_225 : i1
        %and3A_227 = arith.andi %or3A_224, %not3A_226 : i1
        %convert_element_type3A_228 = arith.extui %and3A_227 : i1 to i32
        %cond3A_229 = arith.constant 0 : i32
        %cond3A_230 = arith.cmpi ne, %convert_element_type3A_228, %cond3A_229 : i32
        scf.if %cond3A_230 {
        } else {
        }
        %and3A_231 = arith.constant false
        %and3A_232 = arith.andi %and3A_227, %and3A_231 : i1
        %ne3A_233 = arith.cmpi ne, %add3A_131, %add3A_140 : i32
        %or3A_234 = arith.constant false
        %or3A_235 = arith.ori %or3A_234, %ne3A_233 : i1
        %or3A_236 = arith.constant false
        %or3A_237 = arith.ori %or3A_235, %or3A_236 : i1
        %not3A_238 = arith.constant true
        %not3A_239 = arith.xori %eq3A_128, %not3A_238 : i1
        %and3A_240 = arith.andi %or3A_237, %not3A_239 : i1
        %convert_element_type3A_241 = arith.extui %and3A_240 : i1 to i32
        %cond3A_242 = arith.constant 0 : i32
        %cond3A_243 = arith.cmpi ne, %convert_element_type3A_241, %cond3A_242 : i32
        scf.if %cond3A_243 {
          "tpu.trace_start"() <{level = 10 : i32, message = "ep_wait_out"}> : () -> ()
          %rem3A_264 = arith.constant 2 : i32
          %rem3A_265 = arith.remui %scan3A_125, %rem3A_264 : i32
          %mul3A_266 = arith.constant 128 : i32
          %mul3A_267 = arith.muli %mul3A_266, %add3A_140 : i32
          %dma_wait3A_268 = arith.constant 0 : i32
          %dma_wait3A_269 = arith.constant 0 : i32
          %dma_wait3A_270 = tpu.memref_slice %run_scoped3A_8[%rem3A_265, %dma_wait3A_268, %dma_wait3A_269] : memref<2x128x128xf32, #tpu.memory_space<vmem>> -> memref<1x128x128xf32, #tpu.memory_space<vmem>>
          %dma_wait3A_271 = tpu.memref_squeeze %dma_wait3A_270 : memref<1x128x128xf32, #tpu.memory_space<vmem>> -> memref<128x128xf32, #tpu.memory_space<vmem>>
          %dma_wait3A_272 = arith.constant 0 : i32
          %dma_wait3A_273 = tpu.memref_slice %arg4[%mul3A_267, %dma_wait3A_272] : memref<8192x128xf32, #tpu.memory_space<hbm>> -> memref<128x128xf32, #tpu.memory_space<hbm>>
          %dma_wait3A_274 = tpu.memref_slice %run_scoped3A_9[%rem3A_265] : memref<2x!tpu.dma_semaphore, #tpu.memory_space<semaphore_mem>> -> memref<1x!tpu.dma_semaphore, #tpu.memory_space<semaphore_mem>>
          %dma_wait3A_275 = tpu.memref_squeeze %dma_wait3A_274 : memref<1x!tpu.dma_semaphore, #tpu.memory_space<semaphore_mem>> -> memref<!tpu.dma_semaphore, #tpu.memory_space<semaphore_mem>>
          %dma_wait3A_276 = arith.constant 0 : i32
          %dma_wait3A_277 = tpu.memref_slice %arg4[%mul3A_267, %dma_wait3A_276] : memref<8192x128xf32, #tpu.memory_space<hbm>> -> memref<128x128xf32, #tpu.memory_space<hbm>>
          %dma_wait3A_278 = arith.constant 0 : i32
          %dma_wait3A_279 = arith.constant 0 : i32
          %dma_wait3A_280 = tpu.memref_slice %run_scoped3A_8[%rem3A_265, %dma_wait3A_278, %dma_wait3A_279] : memref<2x128x128xf32, #tpu.memory_space<vmem>> -> memref<1x128x128xf32, #tpu.memory_space<vmem>>
          %dma_wait3A_281 = tpu.memref_squeeze %dma_wait3A_280 : memref<1x128x128xf32, #tpu.memory_space<vmem>> -> memref<128x128xf32, #tpu.memory_space<vmem>>
          tpu.wait_dma2 semaphore(%dma_wait3A_275 : memref<!tpu.dma_semaphore, #tpu.memory_space<semaphore_mem>>) src(%dma_wait3A_281 : memref<128x128xf32, #tpu.memory_space<vmem>>) dst(%dma_wait3A_277 : memref<128x128xf32, #tpu.memory_space<hbm>>)
          "tpu.trace_stop"() : () -> ()
        } else {
        }
        %and3A_244 = arith.constant true
        %and3A_245 = arith.andi %and3A_240, %and3A_244 : i1
        %add3A_246 = arith.constant 1 : i32
        %add3A_247 = arith.addi %scan3A_125, %add3A_246 : i32
        %select_n3A_248 = arith.select %and3A_245, %add3A_247, %scan3A_125 : i32
        %ne3A_249 = arith.cmpi ne, %add3A_131, %add3A_149 : i32
        %or3A_250 = arith.constant false
        %or3A_251 = arith.ori %or3A_250, %ne3A_249 : i1
        %or3A_252 = arith.ori %or3A_251, %eq3A_130 : i1
        %add3A_253 = arith.constant 1 : i32
        %add3A_254 = arith.addi %scan3A_123, %add3A_253 : i32
        %select_n3A_255 = arith.select %or3A_252, %add3A_254, %scan3A_123 : i32
        %add3A_256 = arith.constant 1 : i32
        %add3A_257 = arith.addi %scan3A_126, %add3A_256 : i32
        %select_n3A_258 = arith.constant true
        %select_n3A_259 = arith.select %select_n3A_258, %add3A_257, %scan3A_126 : i32
        %eq3A_260 = arith.constant 2 : i32
        %eq3A_261 = arith.cmpi eq, %select_n3A_259, %eq3A_260 : i32
        %select_n3A_262 = arith.constant 0 : i32
        %select_n3A_263 = arith.select %eq3A_261, %select_n3A_262, %select_n3A_259 : i32
        scf.yield %select_n3A_167, %select_n3A_255, %select_n3A_221, %select_n3A_248, %select_n3A_263 : i32, i32, i32, i32, i32
      }
      %scan3A_68 = arith.constant 2 : i32
      %sub3A = arith.constant 1 : i32
      %sub3A_69 = arith.subi %scan3A_67#4, %sub3A : i32
      %select_n3A_70 = arith.constant true
      %select_n3A_71 = arith.select %select_n3A_70, %sub3A_69, %scan3A_67#4 : i32
      %eq3A_72 = arith.constant -1 : i32
      %eq3A_73 = arith.cmpi eq, %select_n3A_71, %eq3A_72 : i32
      %select_n3A_74 = arith.constant 1 : i32
      %select_n3A_75 = arith.select %eq3A_73, %select_n3A_74, %select_n3A_71 : i32
      %add3A_76 = arith.addi %select_n3A_75, %mul3A_6 : i32
      %sub3A_77 = arith.constant 1 : i32
      %sub3A_78 = arith.subi %select_n3A_75, %sub3A_77 : i32
      %select_n3A_79 = arith.constant true
      %select_n3A_80 = arith.select %select_n3A_79, %sub3A_78, %select_n3A_75 : i32
      %eq3A_81 = arith.constant -1 : i32
      %eq3A_82 = arith.cmpi eq, %select_n3A_80, %eq3A_81 : i32
      %select_n3A_83 = arith.constant 1 : i32
      %select_n3A_84 = arith.select %eq3A_82, %select_n3A_83, %select_n3A_80 : i32
      %add3A_85 = arith.addi %select_n3A_84, %mul3A_6 : i32
      %add3A_86 = arith.constant 1 : i32
      %add3A_87 = arith.addi %select_n3A_75, %add3A_86 : i32
      %select_n3A_88 = arith.constant true
      %select_n3A_89 = arith.select %select_n3A_88, %add3A_87, %select_n3A_75 : i32
      %eq3A_90 = arith.constant 2 : i32
      %eq3A_91 = arith.cmpi eq, %select_n3A_89, %eq3A_90 : i32
      %select_n3A_92 = arith.constant 0 : i32
      %select_n3A_93 = arith.select %eq3A_91, %select_n3A_92, %select_n3A_89 : i32
      %add3A_94 = arith.addi %select_n3A_93, %mul3A_6 : i32
      %add3A_95 = arith.constant 1 : i32
      %add3A_96 = arith.addi %select_n3A_93, %add3A_95 : i32
      %select_n3A_97 = arith.constant true
      %select_n3A_98 = arith.select %select_n3A_97, %add3A_96, %select_n3A_93 : i32
      %eq3A_99 = arith.constant 2 : i32
      %eq3A_100 = arith.cmpi eq, %select_n3A_98, %eq3A_99 : i32
      %select_n3A_101 = arith.constant 0 : i32
      %select_n3A_102 = arith.select %eq3A_100, %select_n3A_101, %select_n3A_98 : i32
      %add3A_103 = arith.addi %select_n3A_102, %mul3A_6 : i32
      "tpu.trace_start"() <{level = 10 : i32, message = "ep_finalize"}> : () -> ()
      %rem3A_104 = arith.constant 2 : i32
      %rem3A_105 = arith.remui %scan3A_67#3, %rem3A_104 : i32
      %mul3A_106 = arith.constant 128 : i32
      %mul3A_107 = arith.muli %mul3A_106, %add3A_76 : i32
      %dma_wait3A = arith.constant 0 : i32
      %dma_wait3A_108 = arith.constant 0 : i32
      %dma_wait3A_109 = tpu.memref_slice %run_scoped3A_8[%rem3A_105, %dma_wait3A, %dma_wait3A_108] : memref<2x128x128xf32, #tpu.memory_space<vmem>> -> memref<1x128x128xf32, #tpu.memory_space<vmem>>
      %dma_wait3A_110 = tpu.memref_squeeze %dma_wait3A_109 : memref<1x128x128xf32, #tpu.memory_space<vmem>> -> memref<128x128xf32, #tpu.memory_space<vmem>>
      %dma_wait3A_111 = arith.constant 0 : i32
      %dma_wait3A_112 = tpu.memref_slice %arg4[%mul3A_107, %dma_wait3A_111] : memref<8192x128xf32, #tpu.memory_space<hbm>> -> memref<128x128xf32, #tpu.memory_space<hbm>>
      %dma_wait3A_113 = tpu.memref_slice %run_scoped3A_9[%rem3A_105] : memref<2x!tpu.dma_semaphore, #tpu.memory_space<semaphore_mem>> -> memref<1x!tpu.dma_semaphore, #tpu.memory_space<semaphore_mem>>
      %dma_wait3A_114 = tpu.memref_squeeze %dma_wait3A_113 : memref<1x!tpu.dma_semaphore, #tpu.memory_space<semaphore_mem>> -> memref<!tpu.dma_semaphore, #tpu.memory_space<semaphore_mem>>
      %dma_wait3A_115 = arith.constant 0 : i32
      %dma_wait3A_116 = tpu.memref_slice %arg4[%mul3A_107, %dma_wait3A_115] : memref<8192x128xf32, #tpu.memory_space<hbm>> -> memref<128x128xf32, #tpu.memory_space<hbm>>
      %dma_wait3A_117 = arith.constant 0 : i32
      %dma_wait3A_118 = arith.constant 0 : i32
      %dma_wait3A_119 = tpu.memref_slice %run_scoped3A_8[%rem3A_105, %dma_wait3A_117, %dma_wait3A_118] : memref<2x128x128xf32, #tpu.memory_space<vmem>> -> memref<1x128x128xf32, #tpu.memory_space<vmem>>
      %dma_wait3A_120 = tpu.memref_squeeze %dma_wait3A_119 : memref<1x128x128xf32, #tpu.memory_space<vmem>> -> memref<128x128xf32, #tpu.memory_space<vmem>>
      tpu.wait_dma2 semaphore(%dma_wait3A_114 : memref<!tpu.dma_semaphore, #tpu.memory_space<semaphore_mem>>) src(%dma_wait3A_120 : memref<128x128xf32, #tpu.memory_space<vmem>>) dst(%dma_wait3A_116 : memref<128x128xf32, #tpu.memory_space<hbm>>)
      "tpu.trace_stop"() : () -> ()
      tpu.yield
    }) : () -> ()
    return
  }
}

module attributes {stable_mosaic.version = 14 : i64} {
  func.func @_branches_body(%arg0: i32, %arg1: memref<64x20x300xf32, #tpu.memory_space<vmem>>, %arg2: memref<64x20x100xf32, #tpu.memory_space<vmem>>, %arg3: memref<400x20xbf16, #tpu.memory_space<vmem>>, %arg4: memref<20x400xbf16, #tpu.memory_space<vmem>>, %arg5: memref<64x1280xbf16, #tpu.memory_space<vmem>>, %arg6: memref<1280x64xbf16, #tpu.memory_space<vmem>>, %arg7: memref<300x400xf32, #tpu.memory_space<vmem>>, %arg8: memref<1x400xf32, #tpu.memory_space<vmem>>, %arg9: memref<300x400xf32, #tpu.memory_space<vmem>>, %arg10: memref<1x400xf32, #tpu.memory_space<vmem>>, %arg11: memref<300x400xf32, #tpu.memory_space<vmem>>, %arg12: memref<1x400xf32, #tpu.memory_space<vmem>>, %arg13: memref<1x400xf32, #tpu.memory_space<vmem>>, %arg14: memref<1x400xf32, #tpu.memory_space<vmem>>, %arg15: memref<400x200xf32, #tpu.memory_space<vmem>>, %arg16: memref<1x200xf32, #tpu.memory_space<vmem>>, %arg17: memref<200x1xf32, #tpu.memory_space<vmem>>, %arg18: memref<1x400xf32, #tpu.memory_space<vmem>>, %arg19: memref<1x400xf32, #tpu.memory_space<vmem>>, %arg20: memref<20x20xf32, #tpu.memory_space<vmem>>, %arg21: memref<100x400xf32, #tpu.memory_space<vmem>>, %arg22: memref<1x400xf32, #tpu.memory_space<vmem>>, %arg23: memref<1x400xf32, #tpu.memory_space<vmem>>, %arg24: memref<1x400xf32, #tpu.memory_space<vmem>>, %arg25: memref<400x200xf32, #tpu.memory_space<vmem>>, %arg26: memref<1x200xf32, #tpu.memory_space<vmem>>, %arg27: memref<200x1xf32, #tpu.memory_space<vmem>>, %arg28: memref<1x400xf32, #tpu.memory_space<vmem>>, %arg29: memref<1x400xf32, #tpu.memory_space<vmem>>, %arg30: memref<64x400xf32, #tpu.memory_space<vmem>>, %arg31: memref<64x400xf32, #tpu.memory_space<vmem>>) attributes {dimension_semantics = [#tpu.dimension_semantics<arbitrary>], iteration_bounds = array<i64: 64>, scalar_prefetch = 0 : i64, scratch_operands = 0 : i64, tpu.core_type = #tpu.core_type<tc>, window_params = [{transform_indices = @transform_0, window_bounds = array<i64: 64, 20, 300>}, {transform_indices = @transform_1, window_bounds = array<i64: 64, 20, 100>}, {pipeline_mode = #tpu.pipeline_mode<synchronous>, transform_indices = @transform_2, window_bounds = array<i64: 400, 20>}, {pipeline_mode = #tpu.pipeline_mode<synchronous>, transform_indices = @transform_3, window_bounds = array<i64: 20, 400>}, {pipeline_mode = #tpu.pipeline_mode<synchronous>, transform_indices = @transform_4, window_bounds = array<i64: 64, 1280>}, {pipeline_mode = #tpu.pipeline_mode<synchronous>, transform_indices = @transform_5, window_bounds = array<i64: 1280, 64>}, {pipeline_mode = #tpu.pipeline_mode<synchronous>, transform_indices = @transform_6, window_bounds = array<i64: 300, 400>}, {pipeline_mode = #tpu.pipeline_mode<synchronous>, transform_indices = @transform_7, window_bounds = array<i64: 1, 400>}, {pipeline_mode = #tpu.pipeline_mode<synchronous>, transform_indices = @transform_8, window_bounds = array<i64: 300, 400>}, {pipeline_mode = #tpu.pipeline_mode<synchronous>, transform_indices = @transform_9, window_bounds = array<i64: 1, 400>}, {pipeline_mode = #tpu.pipeline_mode<synchronous>, transform_indices = @transform_10, window_bounds = array<i64: 300, 400>}, {pipeline_mode = #tpu.pipeline_mode<synchronous>, transform_indices = @transform_11, window_bounds = array<i64: 1, 400>}, {pipeline_mode = #tpu.pipeline_mode<synchronous>, transform_indices = @transform_12, window_bounds = array<i64: 1, 400>}, {pipeline_mode = #tpu.pipeline_mode<synchronous>, transform_indices = @transform_13, window_bounds = array<i64: 1, 400>}, {pipeline_mode = #tpu.pipeline_mode<synchronous>, transform_indices = @transform_14, window_bounds = array<i64: 400, 200>}, {pipeline_mode = #tpu.pipeline_mode<synchronous>, transform_indices = @transform_15, window_bounds = array<i64: 1, 200>}, {pipeline_mode = #tpu.pipeline_mode<synchronous>, transform_indices = @transform_16, window_bounds = array<i64: 200, 1>}, {pipeline_mode = #tpu.pipeline_mode<synchronous>, transform_indices = @transform_17, window_bounds = array<i64: 1, 400>}, {pipeline_mode = #tpu.pipeline_mode<synchronous>, transform_indices = @transform_18, window_bounds = array<i64: 1, 400>}, {pipeline_mode = #tpu.pipeline_mode<synchronous>, transform_indices = @transform_19, window_bounds = array<i64: 20, 20>}, {pipeline_mode = #tpu.pipeline_mode<synchronous>, transform_indices = @transform_20, window_bounds = array<i64: 100, 400>}, {pipeline_mode = #tpu.pipeline_mode<synchronous>, transform_indices = @transform_21, window_bounds = array<i64: 1, 400>}, {pipeline_mode = #tpu.pipeline_mode<synchronous>, transform_indices = @transform_22, window_bounds = array<i64: 1, 400>}, {pipeline_mode = #tpu.pipeline_mode<synchronous>, transform_indices = @transform_23, window_bounds = array<i64: 1, 400>}, {pipeline_mode = #tpu.pipeline_mode<synchronous>, transform_indices = @transform_24, window_bounds = array<i64: 400, 200>}, {pipeline_mode = #tpu.pipeline_mode<synchronous>, transform_indices = @transform_25, window_bounds = array<i64: 1, 200>}, {pipeline_mode = #tpu.pipeline_mode<synchronous>, transform_indices = @transform_26, window_bounds = array<i64: 200, 1>}, {pipeline_mode = #tpu.pipeline_mode<synchronous>, transform_indices = @transform_27, window_bounds = array<i64: 1, 400>}, {pipeline_mode = #tpu.pipeline_mode<synchronous>, transform_indices = @transform_28, window_bounds = array<i64: 1, 400>}, {transform_indices = @transform_29, window_bounds = array<i64: 64, 400>}, {transform_indices = @transform_30, window_bounds = array<i64: 64, 400>}]} {
    %get3A = arith.constant 0 : index
    %get3A_0 = arith.constant 0 : index
    %get3A_1 = arith.constant 0 : index
    %get3A_2 = vector.load %arg1[%get3A, %get3A_0, %get3A_1] : memref<64x20x300xf32, #tpu.memory_space<vmem>>, vector<64x20x300xf32>
    %reshape3A = vector.shape_cast %get3A_2 : vector<64x20x300xf32> to vector<1280x300xf32>
    %get3A_3 = arith.constant 0 : index
    %get3A_4 = arith.constant 0 : index
    %get3A_5 = vector.load %arg7[%get3A_3, %get3A_4] : memref<300x400xf32, #tpu.memory_space<vmem>>, vector<300x400xf32>
    %convert_element_type3A = arith.truncf %reshape3A : vector<1280x300xf32> to vector<1280x300xbf16>
    %convert_element_type3A_6 = arith.truncf %get3A_5 : vector<300x400xf32> to vector<300x400xbf16>
    %dot_general3A = arith.constant dense<0.000000e+00> : vector<1280x400xf32>
    %dot_general3A_7 = tpu.matmul %convert_element_type3A, %convert_element_type3A_6, %dot_general3A {dimension_numbers = #tpu.dot_dimension_numbers<[1], [0], [0], [1], [0, 0, 1, 1], [], []>, transpose_lhs_hint = false} : vector<1280x300xbf16>, vector<300x400xbf16>, vector<1280x400xf32> -> vector<1280x400xf32>
    %get3A_8 = arith.constant 0 : index
    %get3A_9 = arith.constant 0 : index
    %get3A_10 = vector.load %arg8[%get3A_8, %get3A_9] : memref<1x400xf32, #tpu.memory_space<vmem>>, vector<1x400xf32>
    %add3A = vector.broadcast %get3A_10 : vector<1x400xf32> to vector<1280x400xf32>
    %add3A_11 = arith.addf %dot_general3A_7, %add3A : vector<1280x400xf32>
    %get3A_12 = arith.constant 0 : index
    %get3A_13 = arith.constant 0 : index
    %get3A_14 = vector.load %arg9[%get3A_12, %get3A_13] : memref<300x400xf32, #tpu.memory_space<vmem>>, vector<300x400xf32>
    %convert_element_type3A_15 = arith.truncf %reshape3A : vector<1280x300xf32> to vector<1280x300xbf16>
    %convert_element_type3A_16 = arith.truncf %get3A_14 : vector<300x400xf32> to vector<300x400xbf16>
    %dot_general3A_17 = arith.constant dense<0.000000e+00> : vector<1280x400xf32>
    %dot_general3A_18 = tpu.matmul %convert_element_type3A_15, %convert_element_type3A_16, %dot_general3A_17 {dimension_numbers = #tpu.dot_dimension_numbers<[1], [0], [0], [1], [0, 0, 1, 1], [], []>, transpose_lhs_hint = false} : vector<1280x300xbf16>, vector<300x400xbf16>, vector<1280x400xf32> -> vector<1280x400xf32>
    %get3A_19 = arith.constant 0 : index
    %get3A_20 = arith.constant 0 : index
    %get3A_21 = vector.load %arg10[%get3A_19, %get3A_20] : memref<1x400xf32, #tpu.memory_space<vmem>>, vector<1x400xf32>
    %add3A_22 = vector.broadcast %get3A_21 : vector<1x400xf32> to vector<1280x400xf32>
    %add3A_23 = arith.addf %dot_general3A_18, %add3A_22 : vector<1280x400xf32>
    %get3A_24 = arith.constant 0 : index
    %get3A_25 = arith.constant 0 : index
    %get3A_26 = vector.load %arg11[%get3A_24, %get3A_25] : memref<300x400xf32, #tpu.memory_space<vmem>>, vector<300x400xf32>
    %convert_element_type3A_27 = arith.truncf %reshape3A : vector<1280x300xf32> to vector<1280x300xbf16>
    %convert_element_type3A_28 = arith.truncf %get3A_26 : vector<300x400xf32> to vector<300x400xbf16>
    %dot_general3A_29 = arith.constant dense<0.000000e+00> : vector<1280x400xf32>
    %dot_general3A_30 = tpu.matmul %convert_element_type3A_27, %convert_element_type3A_28, %dot_general3A_29 {dimension_numbers = #tpu.dot_dimension_numbers<[1], [0], [0], [1], [0, 0, 1, 1], [], []>, transpose_lhs_hint = false} : vector<1280x300xbf16>, vector<300x400xbf16>, vector<1280x400xf32> -> vector<1280x400xf32>
    %get3A_31 = arith.constant 0 : index
    %get3A_32 = arith.constant 0 : index
    %get3A_33 = vector.load %arg12[%get3A_31, %get3A_32] : memref<1x400xf32, #tpu.memory_space<vmem>>, vector<1x400xf32>
    %add3A_34 = vector.broadcast %get3A_33 : vector<1x400xf32> to vector<1280x400xf32>
    %add3A_35 = arith.addf %dot_general3A_30, %add3A_34 : vector<1280x400xf32>
    %mul3A = arith.constant 0.223606795 : f32
    %mul3A_36 = vector.broadcast %mul3A : f32 to vector<1280x400xf32>
    %mul3A_37 = arith.mulf %add3A_11, %mul3A_36 : vector<1280x400xf32>
    %reshape3A_38 = vector.shape_cast %mul3A_37 : vector<1280x400xf32> to vector<64x20x400xf32>
    %reshape3A_39 = vector.shape_cast %add3A_23 : vector<1280x400xf32> to vector<64x20x400xf32>
    %reshape3A_40 = vector.shape_cast %add3A_35 : vector<1280x400xf32> to vector<64x20x400xf32>
    %slice3A = vector.extract_strided_slice %reshape3A_38 {offsets = [0, 0, 0], sizes = [64, 20, 20], strides = [1, 1, 1]} : vector<64x20x400xf32> to vector<64x20x20xf32>
    %convert_element_type3A_41 = arith.truncf %slice3A : vector<64x20x20xf32> to vector<64x20x20xbf16>
    %slice3A_42 = vector.extract_strided_slice %reshape3A_39 {offsets = [0, 0, 0], sizes = [64, 20, 20], strides = [1, 1, 1]} : vector<64x20x400xf32> to vector<64x20x20xf32>
    %convert_element_type3A_43 = arith.truncf %slice3A_42 : vector<64x20x20xf32> to vector<64x20x20xbf16>
    %dot_general3A_44 = arith.constant dense<0.000000e+00> : vector<64x20x20xf32>
    %dot_general3A_45 = tpu.matmul %convert_element_type3A_41, %convert_element_type3A_43, %dot_general3A_44 {dimension_numbers = #tpu.dot_dimension_numbers<[2], [2], [1], [1], [0, 0, 0, 1, 1, 1], [0], [0]>, transpose_lhs_hint = false} : vector<64x20x20xbf16>, vector<64x20x20xbf16>, vector<64x20x20xf32> -> vector<64x20x20xf32>
    %slice3A_46 = vector.extract_strided_slice %reshape3A_38 {offsets = [0, 0, 20], sizes = [64, 20, 20], strides = [1, 1, 1]} : vector<64x20x400xf32> to vector<64x20x20xf32>
    %convert_element_type3A_47 = arith.truncf %slice3A_46 : vector<64x20x20xf32> to vector<64x20x20xbf16>
    %slice3A_48 = vector.extract_strided_slice %reshape3A_39 {offsets = [0, 0, 20], sizes = [64, 20, 20], strides = [1, 1, 1]} : vector<64x20x400xf32> to vector<64x20x20xf32>
    %convert_element_type3A_49 = arith.truncf %slice3A_48 : vector<64x20x20xf32> to vector<64x20x20xbf16>
    %dot_general3A_50 = arith.constant dense<0.000000e+00> : vector<64x20x20xf32>
    %dot_general3A_51 = tpu.matmul %convert_element_type3A_47, %convert_element_type3A_49, %dot_general3A_50 {dimension_numbers = #tpu.dot_dimension_numbers<[2], [2], [1], [1], [0, 0, 0, 1, 1, 1], [0], [0]>, transpose_lhs_hint = false} : vector<64x20x20xbf16>, vector<64x20x20xbf16>, vector<64x20x20xf32> -> vector<64x20x20xf32>
    %slice3A_52 = vector.extract_strided_slice %reshape3A_38 {offsets = [0, 0, 40], sizes = [64, 20, 20], strides = [1, 1, 1]} : vector<64x20x400xf32> to vector<64x20x20xf32>
    %convert_element_type3A_53 = arith.truncf %slice3A_52 : vector<64x20x20xf32> to vector<64x20x20xbf16>
    %slice3A_54 = vector.extract_strided_slice %reshape3A_39 {offsets = [0, 0, 40], sizes = [64, 20, 20], strides = [1, 1, 1]} : vector<64x20x400xf32> to vector<64x20x20xf32>
    %convert_element_type3A_55 = arith.truncf %slice3A_54 : vector<64x20x20xf32> to vector<64x20x20xbf16>
    %dot_general3A_56 = arith.constant dense<0.000000e+00> : vector<64x20x20xf32>
    %dot_general3A_57 = tpu.matmul %convert_element_type3A_53, %convert_element_type3A_55, %dot_general3A_56 {dimension_numbers = #tpu.dot_dimension_numbers<[2], [2], [1], [1], [0, 0, 0, 1, 1, 1], [0], [0]>, transpose_lhs_hint = false} : vector<64x20x20xbf16>, vector<64x20x20xbf16>, vector<64x20x20xf32> -> vector<64x20x20xf32>
    %slice3A_58 = vector.extract_strided_slice %reshape3A_38 {offsets = [0, 0, 60], sizes = [64, 20, 20], strides = [1, 1, 1]} : vector<64x20x400xf32> to vector<64x20x20xf32>
    %convert_element_type3A_59 = arith.truncf %slice3A_58 : vector<64x20x20xf32> to vector<64x20x20xbf16>
    %slice3A_60 = vector.extract_strided_slice %reshape3A_39 {offsets = [0, 0, 60], sizes = [64, 20, 20], strides = [1, 1, 1]} : vector<64x20x400xf32> to vector<64x20x20xf32>
    %convert_element_type3A_61 = arith.truncf %slice3A_60 : vector<64x20x20xf32> to vector<64x20x20xbf16>
    %dot_general3A_62 = arith.constant dense<0.000000e+00> : vector<64x20x20xf32>
    %dot_general3A_63 = tpu.matmul %convert_element_type3A_59, %convert_element_type3A_61, %dot_general3A_62 {dimension_numbers = #tpu.dot_dimension_numbers<[2], [2], [1], [1], [0, 0, 0, 1, 1, 1], [0], [0]>, transpose_lhs_hint = false} : vector<64x20x20xbf16>, vector<64x20x20xbf16>, vector<64x20x20xf32> -> vector<64x20x20xf32>
    %slice3A_64 = vector.extract_strided_slice %reshape3A_38 {offsets = [0, 0, 80], sizes = [64, 20, 20], strides = [1, 1, 1]} : vector<64x20x400xf32> to vector<64x20x20xf32>
    %convert_element_type3A_65 = arith.truncf %slice3A_64 : vector<64x20x20xf32> to vector<64x20x20xbf16>
    %slice3A_66 = vector.extract_strided_slice %reshape3A_39 {offsets = [0, 0, 80], sizes = [64, 20, 20], strides = [1, 1, 1]} : vector<64x20x400xf32> to vector<64x20x20xf32>
    %convert_element_type3A_67 = arith.truncf %slice3A_66 : vector<64x20x20xf32> to vector<64x20x20xbf16>
    %dot_general3A_68 = arith.constant dense<0.000000e+00> : vector<64x20x20xf32>
    %dot_general3A_69 = tpu.matmul %convert_element_type3A_65, %convert_element_type3A_67, %dot_general3A_68 {dimension_numbers = #tpu.dot_dimension_numbers<[2], [2], [1], [1], [0, 0, 0, 1, 1, 1], [0], [0]>, transpose_lhs_hint = false} : vector<64x20x20xbf16>, vector<64x20x20xbf16>, vector<64x20x20xf32> -> vector<64x20x20xf32>
    %slice3A_70 = vector.extract_strided_slice %reshape3A_38 {offsets = [0, 0, 100], sizes = [64, 20, 20], strides = [1, 1, 1]} : vector<64x20x400xf32> to vector<64x20x20xf32>
    %convert_element_type3A_71 = arith.truncf %slice3A_70 : vector<64x20x20xf32> to vector<64x20x20xbf16>
    %slice3A_72 = vector.extract_strided_slice %reshape3A_39 {offsets = [0, 0, 100], sizes = [64, 20, 20], strides = [1, 1, 1]} : vector<64x20x400xf32> to vector<64x20x20xf32>
    %convert_element_type3A_73 = arith.truncf %slice3A_72 : vector<64x20x20xf32> to vector<64x20x20xbf16>
    %dot_general3A_74 = arith.constant dense<0.000000e+00> : vector<64x20x20xf32>
    %dot_general3A_75 = tpu.matmul %convert_element_type3A_71, %convert_element_type3A_73, %dot_general3A_74 {dimension_numbers = #tpu.dot_dimension_numbers<[2], [2], [1], [1], [0, 0, 0, 1, 1, 1], [0], [0]>, transpose_lhs_hint = false} : vector<64x20x20xbf16>, vector<64x20x20xbf16>, vector<64x20x20xf32> -> vector<64x20x20xf32>
    %slice3A_76 = vector.extract_strided_slice %reshape3A_38 {offsets = [0, 0, 120], sizes = [64, 20, 20], strides = [1, 1, 1]} : vector<64x20x400xf32> to vector<64x20x20xf32>
    %convert_element_type3A_77 = arith.truncf %slice3A_76 : vector<64x20x20xf32> to vector<64x20x20xbf16>
    %slice3A_78 = vector.extract_strided_slice %reshape3A_39 {offsets = [0, 0, 120], sizes = [64, 20, 20], strides = [1, 1, 1]} : vector<64x20x400xf32> to vector<64x20x20xf32>
    %convert_element_type3A_79 = arith.truncf %slice3A_78 : vector<64x20x20xf32> to vector<64x20x20xbf16>
    %dot_general3A_80 = arith.constant dense<0.000000e+00> : vector<64x20x20xf32>
    %dot_general3A_81 = tpu.matmul %convert_element_type3A_77, %convert_element_type3A_79, %dot_general3A_80 {dimension_numbers = #tpu.dot_dimension_numbers<[2], [2], [1], [1], [0, 0, 0, 1, 1, 1], [0], [0]>, transpose_lhs_hint = false} : vector<64x20x20xbf16>, vector<64x20x20xbf16>, vector<64x20x20xf32> -> vector<64x20x20xf32>
    %slice3A_82 = vector.extract_strided_slice %reshape3A_38 {offsets = [0, 0, 140], sizes = [64, 20, 20], strides = [1, 1, 1]} : vector<64x20x400xf32> to vector<64x20x20xf32>
    %convert_element_type3A_83 = arith.truncf %slice3A_82 : vector<64x20x20xf32> to vector<64x20x20xbf16>
    %slice3A_84 = vector.extract_strided_slice %reshape3A_39 {offsets = [0, 0, 140], sizes = [64, 20, 20], strides = [1, 1, 1]} : vector<64x20x400xf32> to vector<64x20x20xf32>
    %convert_element_type3A_85 = arith.truncf %slice3A_84 : vector<64x20x20xf32> to vector<64x20x20xbf16>
    %dot_general3A_86 = arith.constant dense<0.000000e+00> : vector<64x20x20xf32>
    %dot_general3A_87 = tpu.matmul %convert_element_type3A_83, %convert_element_type3A_85, %dot_general3A_86 {dimension_numbers = #tpu.dot_dimension_numbers<[2], [2], [1], [1], [0, 0, 0, 1, 1, 1], [0], [0]>, transpose_lhs_hint = false} : vector<64x20x20xbf16>, vector<64x20x20xbf16>, vector<64x20x20xf32> -> vector<64x20x20xf32>
    %slice3A_88 = vector.extract_strided_slice %reshape3A_38 {offsets = [0, 0, 160], sizes = [64, 20, 20], strides = [1, 1, 1]} : vector<64x20x400xf32> to vector<64x20x20xf32>
    %convert_element_type3A_89 = arith.truncf %slice3A_88 : vector<64x20x20xf32> to vector<64x20x20xbf16>
    %slice3A_90 = vector.extract_strided_slice %reshape3A_39 {offsets = [0, 0, 160], sizes = [64, 20, 20], strides = [1, 1, 1]} : vector<64x20x400xf32> to vector<64x20x20xf32>
    %convert_element_type3A_91 = arith.truncf %slice3A_90 : vector<64x20x20xf32> to vector<64x20x20xbf16>
    %dot_general3A_92 = arith.constant dense<0.000000e+00> : vector<64x20x20xf32>
    %dot_general3A_93 = tpu.matmul %convert_element_type3A_89, %convert_element_type3A_91, %dot_general3A_92 {dimension_numbers = #tpu.dot_dimension_numbers<[2], [2], [1], [1], [0, 0, 0, 1, 1, 1], [0], [0]>, transpose_lhs_hint = false} : vector<64x20x20xbf16>, vector<64x20x20xbf16>, vector<64x20x20xf32> -> vector<64x20x20xf32>
    %slice3A_94 = vector.extract_strided_slice %reshape3A_38 {offsets = [0, 0, 180], sizes = [64, 20, 20], strides = [1, 1, 1]} : vector<64x20x400xf32> to vector<64x20x20xf32>
    %convert_element_type3A_95 = arith.truncf %slice3A_94 : vector<64x20x20xf32> to vector<64x20x20xbf16>
    %slice3A_96 = vector.extract_strided_slice %reshape3A_39 {offsets = [0, 0, 180], sizes = [64, 20, 20], strides = [1, 1, 1]} : vector<64x20x400xf32> to vector<64x20x20xf32>
    %convert_element_type3A_97 = arith.truncf %slice3A_96 : vector<64x20x20xf32> to vector<64x20x20xbf16>
    %dot_general3A_98 = arith.constant dense<0.000000e+00> : vector<64x20x20xf32>
    %dot_general3A_99 = tpu.matmul %convert_element_type3A_95, %convert_element_type3A_97, %dot_general3A_98 {dimension_numbers = #tpu.dot_dimension_numbers<[2], [2], [1], [1], [0, 0, 0, 1, 1, 1], [0], [0]>, transpose_lhs_hint = false} : vector<64x20x20xbf16>, vector<64x20x20xbf16>, vector<64x20x20xf32> -> vector<64x20x20xf32>
    %slice3A_100 = vector.extract_strided_slice %reshape3A_38 {offsets = [0, 0, 200], sizes = [64, 20, 20], strides = [1, 1, 1]} : vector<64x20x400xf32> to vector<64x20x20xf32>
    %convert_element_type3A_101 = arith.truncf %slice3A_100 : vector<64x20x20xf32> to vector<64x20x20xbf16>
    %slice3A_102 = vector.extract_strided_slice %reshape3A_39 {offsets = [0, 0, 200], sizes = [64, 20, 20], strides = [1, 1, 1]} : vector<64x20x400xf32> to vector<64x20x20xf32>
    %convert_element_type3A_103 = arith.truncf %slice3A_102 : vector<64x20x20xf32> to vector<64x20x20xbf16>
    %dot_general3A_104 = arith.constant dense<0.000000e+00> : vector<64x20x20xf32>
    %dot_general3A_105 = tpu.matmul %convert_element_type3A_101, %convert_element_type3A_103, %dot_general3A_104 {dimension_numbers = #tpu.dot_dimension_numbers<[2], [2], [1], [1], [0, 0, 0, 1, 1, 1], [0], [0]>, transpose_lhs_hint = false} : vector<64x20x20xbf16>, vector<64x20x20xbf16>, vector<64x20x20xf32> -> vector<64x20x20xf32>
    %slice3A_106 = vector.extract_strided_slice %reshape3A_38 {offsets = [0, 0, 220], sizes = [64, 20, 20], strides = [1, 1, 1]} : vector<64x20x400xf32> to vector<64x20x20xf32>
    %convert_element_type3A_107 = arith.truncf %slice3A_106 : vector<64x20x20xf32> to vector<64x20x20xbf16>
    %slice3A_108 = vector.extract_strided_slice %reshape3A_39 {offsets = [0, 0, 220], sizes = [64, 20, 20], strides = [1, 1, 1]} : vector<64x20x400xf32> to vector<64x20x20xf32>
    %convert_element_type3A_109 = arith.truncf %slice3A_108 : vector<64x20x20xf32> to vector<64x20x20xbf16>
    %dot_general3A_110 = arith.constant dense<0.000000e+00> : vector<64x20x20xf32>
    %dot_general3A_111 = tpu.matmul %convert_element_type3A_107, %convert_element_type3A_109, %dot_general3A_110 {dimension_numbers = #tpu.dot_dimension_numbers<[2], [2], [1], [1], [0, 0, 0, 1, 1, 1], [0], [0]>, transpose_lhs_hint = false} : vector<64x20x20xbf16>, vector<64x20x20xbf16>, vector<64x20x20xf32> -> vector<64x20x20xf32>
    %slice3A_112 = vector.extract_strided_slice %reshape3A_38 {offsets = [0, 0, 240], sizes = [64, 20, 20], strides = [1, 1, 1]} : vector<64x20x400xf32> to vector<64x20x20xf32>
    %convert_element_type3A_113 = arith.truncf %slice3A_112 : vector<64x20x20xf32> to vector<64x20x20xbf16>
    %slice3A_114 = vector.extract_strided_slice %reshape3A_39 {offsets = [0, 0, 240], sizes = [64, 20, 20], strides = [1, 1, 1]} : vector<64x20x400xf32> to vector<64x20x20xf32>
    %convert_element_type3A_115 = arith.truncf %slice3A_114 : vector<64x20x20xf32> to vector<64x20x20xbf16>
    %dot_general3A_116 = arith.constant dense<0.000000e+00> : vector<64x20x20xf32>
    %dot_general3A_117 = tpu.matmul %convert_element_type3A_113, %convert_element_type3A_115, %dot_general3A_116 {dimension_numbers = #tpu.dot_dimension_numbers<[2], [2], [1], [1], [0, 0, 0, 1, 1, 1], [0], [0]>, transpose_lhs_hint = false} : vector<64x20x20xbf16>, vector<64x20x20xbf16>, vector<64x20x20xf32> -> vector<64x20x20xf32>
    %slice3A_118 = vector.extract_strided_slice %reshape3A_38 {offsets = [0, 0, 260], sizes = [64, 20, 20], strides = [1, 1, 1]} : vector<64x20x400xf32> to vector<64x20x20xf32>
    %convert_element_type3A_119 = arith.truncf %slice3A_118 : vector<64x20x20xf32> to vector<64x20x20xbf16>
    %slice3A_120 = vector.extract_strided_slice %reshape3A_39 {offsets = [0, 0, 260], sizes = [64, 20, 20], strides = [1, 1, 1]} : vector<64x20x400xf32> to vector<64x20x20xf32>
    %convert_element_type3A_121 = arith.truncf %slice3A_120 : vector<64x20x20xf32> to vector<64x20x20xbf16>
    %dot_general3A_122 = arith.constant dense<0.000000e+00> : vector<64x20x20xf32>
    %dot_general3A_123 = tpu.matmul %convert_element_type3A_119, %convert_element_type3A_121, %dot_general3A_122 {dimension_numbers = #tpu.dot_dimension_numbers<[2], [2], [1], [1], [0, 0, 0, 1, 1, 1], [0], [0]>, transpose_lhs_hint = false} : vector<64x20x20xbf16>, vector<64x20x20xbf16>, vector<64x20x20xf32> -> vector<64x20x20xf32>
    %slice3A_124 = vector.extract_strided_slice %reshape3A_38 {offsets = [0, 0, 280], sizes = [64, 20, 20], strides = [1, 1, 1]} : vector<64x20x400xf32> to vector<64x20x20xf32>
    %convert_element_type3A_125 = arith.truncf %slice3A_124 : vector<64x20x20xf32> to vector<64x20x20xbf16>
    %slice3A_126 = vector.extract_strided_slice %reshape3A_39 {offsets = [0, 0, 280], sizes = [64, 20, 20], strides = [1, 1, 1]} : vector<64x20x400xf32> to vector<64x20x20xf32>
    %convert_element_type3A_127 = arith.truncf %slice3A_126 : vector<64x20x20xf32> to vector<64x20x20xbf16>
    %dot_general3A_128 = arith.constant dense<0.000000e+00> : vector<64x20x20xf32>
    %dot_general3A_129 = tpu.matmul %convert_element_type3A_125, %convert_element_type3A_127, %dot_general3A_128 {dimension_numbers = #tpu.dot_dimension_numbers<[2], [2], [1], [1], [0, 0, 0, 1, 1, 1], [0], [0]>, transpose_lhs_hint = false} : vector<64x20x20xbf16>, vector<64x20x20xbf16>, vector<64x20x20xf32> -> vector<64x20x20xf32>
    %slice3A_130 = vector.extract_strided_slice %reshape3A_38 {offsets = [0, 0, 300], sizes = [64, 20, 20], strides = [1, 1, 1]} : vector<64x20x400xf32> to vector<64x20x20xf32>
    %convert_element_type3A_131 = arith.truncf %slice3A_130 : vector<64x20x20xf32> to vector<64x20x20xbf16>
    %slice3A_132 = vector.extract_strided_slice %reshape3A_39 {offsets = [0, 0, 300], sizes = [64, 20, 20], strides = [1, 1, 1]} : vector<64x20x400xf32> to vector<64x20x20xf32>
    %convert_element_type3A_133 = arith.truncf %slice3A_132 : vector<64x20x20xf32> to vector<64x20x20xbf16>
    %dot_general3A_134 = arith.constant dense<0.000000e+00> : vector<64x20x20xf32>
    %dot_general3A_135 = tpu.matmul %convert_element_type3A_131, %convert_element_type3A_133, %dot_general3A_134 {dimension_numbers = #tpu.dot_dimension_numbers<[2], [2], [1], [1], [0, 0, 0, 1, 1, 1], [0], [0]>, transpose_lhs_hint = false} : vector<64x20x20xbf16>, vector<64x20x20xbf16>, vector<64x20x20xf32> -> vector<64x20x20xf32>
    %slice3A_136 = vector.extract_strided_slice %reshape3A_38 {offsets = [0, 0, 320], sizes = [64, 20, 20], strides = [1, 1, 1]} : vector<64x20x400xf32> to vector<64x20x20xf32>
    %convert_element_type3A_137 = arith.truncf %slice3A_136 : vector<64x20x20xf32> to vector<64x20x20xbf16>
    %slice3A_138 = vector.extract_strided_slice %reshape3A_39 {offsets = [0, 0, 320], sizes = [64, 20, 20], strides = [1, 1, 1]} : vector<64x20x400xf32> to vector<64x20x20xf32>
    %convert_element_type3A_139 = arith.truncf %slice3A_138 : vector<64x20x20xf32> to vector<64x20x20xbf16>
    %dot_general3A_140 = arith.constant dense<0.000000e+00> : vector<64x20x20xf32>
    %dot_general3A_141 = tpu.matmul %convert_element_type3A_137, %convert_element_type3A_139, %dot_general3A_140 {dimension_numbers = #tpu.dot_dimension_numbers<[2], [2], [1], [1], [0, 0, 0, 1, 1, 1], [0], [0]>, transpose_lhs_hint = false} : vector<64x20x20xbf16>, vector<64x20x20xbf16>, vector<64x20x20xf32> -> vector<64x20x20xf32>
    %slice3A_142 = vector.extract_strided_slice %reshape3A_38 {offsets = [0, 0, 340], sizes = [64, 20, 20], strides = [1, 1, 1]} : vector<64x20x400xf32> to vector<64x20x20xf32>
    %convert_element_type3A_143 = arith.truncf %slice3A_142 : vector<64x20x20xf32> to vector<64x20x20xbf16>
    %slice3A_144 = vector.extract_strided_slice %reshape3A_39 {offsets = [0, 0, 340], sizes = [64, 20, 20], strides = [1, 1, 1]} : vector<64x20x400xf32> to vector<64x20x20xf32>
    %convert_element_type3A_145 = arith.truncf %slice3A_144 : vector<64x20x20xf32> to vector<64x20x20xbf16>
    %dot_general3A_146 = arith.constant dense<0.000000e+00> : vector<64x20x20xf32>
    %dot_general3A_147 = tpu.matmul %convert_element_type3A_143, %convert_element_type3A_145, %dot_general3A_146 {dimension_numbers = #tpu.dot_dimension_numbers<[2], [2], [1], [1], [0, 0, 0, 1, 1, 1], [0], [0]>, transpose_lhs_hint = false} : vector<64x20x20xbf16>, vector<64x20x20xbf16>, vector<64x20x20xf32> -> vector<64x20x20xf32>
    %slice3A_148 = vector.extract_strided_slice %reshape3A_38 {offsets = [0, 0, 360], sizes = [64, 20, 20], strides = [1, 1, 1]} : vector<64x20x400xf32> to vector<64x20x20xf32>
    %convert_element_type3A_149 = arith.truncf %slice3A_148 : vector<64x20x20xf32> to vector<64x20x20xbf16>
    %slice3A_150 = vector.extract_strided_slice %reshape3A_39 {offsets = [0, 0, 360], sizes = [64, 20, 20], strides = [1, 1, 1]} : vector<64x20x400xf32> to vector<64x20x20xf32>
    %convert_element_type3A_151 = arith.truncf %slice3A_150 : vector<64x20x20xf32> to vector<64x20x20xbf16>
    %dot_general3A_152 = arith.constant dense<0.000000e+00> : vector<64x20x20xf32>
    %dot_general3A_153 = tpu.matmul %convert_element_type3A_149, %convert_element_type3A_151, %dot_general3A_152 {dimension_numbers = #tpu.dot_dimension_numbers<[2], [2], [1], [1], [0, 0, 0, 1, 1, 1], [0], [0]>, transpose_lhs_hint = false} : vector<64x20x20xbf16>, vector<64x20x20xbf16>, vector<64x20x20xf32> -> vector<64x20x20xf32>
    %slice3A_154 = vector.extract_strided_slice %reshape3A_38 {offsets = [0, 0, 380], sizes = [64, 20, 20], strides = [1, 1, 1]} : vector<64x20x400xf32> to vector<64x20x20xf32>
    %convert_element_type3A_155 = arith.truncf %slice3A_154 : vector<64x20x20xf32> to vector<64x20x20xbf16>
    %slice3A_156 = vector.extract_strided_slice %reshape3A_39 {offsets = [0, 0, 380], sizes = [64, 20, 20], strides = [1, 1, 1]} : vector<64x20x400xf32> to vector<64x20x20xf32>
    %convert_element_type3A_157 = arith.truncf %slice3A_156 : vector<64x20x20xf32> to vector<64x20x20xbf16>
    %dot_general3A_158 = arith.constant dense<0.000000e+00> : vector<64x20x20xf32>
    %dot_general3A_159 = tpu.matmul %convert_element_type3A_155, %convert_element_type3A_157, %dot_general3A_158 {dimension_numbers = #tpu.dot_dimension_numbers<[2], [2], [1], [1], [0, 0, 0, 1, 1, 1], [0], [0]>, transpose_lhs_hint = false} : vector<64x20x20xbf16>, vector<64x20x20xbf16>, vector<64x20x20xf32> -> vector<64x20x20xf32>
    %min3A = arith.constant 6.000000e+01 : f32
    %min3A_160 = vector.broadcast %min3A : f32 to vector<64x20x20xf32>
    %min3A_161 = arith.minimumf %dot_general3A_45, %min3A_160 : vector<64x20x20xf32>
    %exp3A = math.exp %min3A_161 : vector<64x20x20xf32>
    %convert_element_type3A_162 = arith.truncf %exp3A : vector<64x20x20xf32> to vector<64x20x20xbf16>
    %min3A_163 = arith.constant 6.000000e+01 : f32
    %min3A_164 = vector.broadcast %min3A_163 : f32 to vector<64x20x20xf32>
    %min3A_165 = arith.minimumf %dot_general3A_51, %min3A_164 : vector<64x20x20xf32>
    %exp3A_166 = math.exp %min3A_165 : vector<64x20x20xf32>
    %convert_element_type3A_167 = arith.truncf %exp3A_166 : vector<64x20x20xf32> to vector<64x20x20xbf16>
    %min3A_168 = arith.constant 6.000000e+01 : f32
    %min3A_169 = vector.broadcast %min3A_168 : f32 to vector<64x20x20xf32>
    %min3A_170 = arith.minimumf %dot_general3A_57, %min3A_169 : vector<64x20x20xf32>
    %exp3A_171 = math.exp %min3A_170 : vector<64x20x20xf32>
    %convert_element_type3A_172 = arith.truncf %exp3A_171 : vector<64x20x20xf32> to vector<64x20x20xbf16>
    %min3A_173 = arith.constant 6.000000e+01 : f32
    %min3A_174 = vector.broadcast %min3A_173 : f32 to vector<64x20x20xf32>
    %min3A_175 = arith.minimumf %dot_general3A_63, %min3A_174 : vector<64x20x20xf32>
    %exp3A_176 = math.exp %min3A_175 : vector<64x20x20xf32>
    %convert_element_type3A_177 = arith.truncf %exp3A_176 : vector<64x20x20xf32> to vector<64x20x20xbf16>
    %min3A_178 = arith.constant 6.000000e+01 : f32
    %min3A_179 = vector.broadcast %min3A_178 : f32 to vector<64x20x20xf32>
    %min3A_180 = arith.minimumf %dot_general3A_69, %min3A_179 : vector<64x20x20xf32>
    %exp3A_181 = math.exp %min3A_180 : vector<64x20x20xf32>
    %convert_element_type3A_182 = arith.truncf %exp3A_181 : vector<64x20x20xf32> to vector<64x20x20xbf16>
    %min3A_183 = arith.constant 6.000000e+01 : f32
    %min3A_184 = vector.broadcast %min3A_183 : f32 to vector<64x20x20xf32>
    %min3A_185 = arith.minimumf %dot_general3A_75, %min3A_184 : vector<64x20x20xf32>
    %exp3A_186 = math.exp %min3A_185 : vector<64x20x20xf32>
    %convert_element_type3A_187 = arith.truncf %exp3A_186 : vector<64x20x20xf32> to vector<64x20x20xbf16>
    %min3A_188 = arith.constant 6.000000e+01 : f32
    %min3A_189 = vector.broadcast %min3A_188 : f32 to vector<64x20x20xf32>
    %min3A_190 = arith.minimumf %dot_general3A_81, %min3A_189 : vector<64x20x20xf32>
    %exp3A_191 = math.exp %min3A_190 : vector<64x20x20xf32>
    %convert_element_type3A_192 = arith.truncf %exp3A_191 : vector<64x20x20xf32> to vector<64x20x20xbf16>
    %min3A_193 = arith.constant 6.000000e+01 : f32
    %min3A_194 = vector.broadcast %min3A_193 : f32 to vector<64x20x20xf32>
    %min3A_195 = arith.minimumf %dot_general3A_87, %min3A_194 : vector<64x20x20xf32>
    %exp3A_196 = math.exp %min3A_195 : vector<64x20x20xf32>
    %convert_element_type3A_197 = arith.truncf %exp3A_196 : vector<64x20x20xf32> to vector<64x20x20xbf16>
    %min3A_198 = arith.constant 6.000000e+01 : f32
    %min3A_199 = vector.broadcast %min3A_198 : f32 to vector<64x20x20xf32>
    %min3A_200 = arith.minimumf %dot_general3A_93, %min3A_199 : vector<64x20x20xf32>
    %exp3A_201 = math.exp %min3A_200 : vector<64x20x20xf32>
    %convert_element_type3A_202 = arith.truncf %exp3A_201 : vector<64x20x20xf32> to vector<64x20x20xbf16>
    %min3A_203 = arith.constant 6.000000e+01 : f32
    %min3A_204 = vector.broadcast %min3A_203 : f32 to vector<64x20x20xf32>
    %min3A_205 = arith.minimumf %dot_general3A_99, %min3A_204 : vector<64x20x20xf32>
    %exp3A_206 = math.exp %min3A_205 : vector<64x20x20xf32>
    %convert_element_type3A_207 = arith.truncf %exp3A_206 : vector<64x20x20xf32> to vector<64x20x20xbf16>
    %min3A_208 = arith.constant 6.000000e+01 : f32
    %min3A_209 = vector.broadcast %min3A_208 : f32 to vector<64x20x20xf32>
    %min3A_210 = arith.minimumf %dot_general3A_105, %min3A_209 : vector<64x20x20xf32>
    %exp3A_211 = math.exp %min3A_210 : vector<64x20x20xf32>
    %convert_element_type3A_212 = arith.truncf %exp3A_211 : vector<64x20x20xf32> to vector<64x20x20xbf16>
    %min3A_213 = arith.constant 6.000000e+01 : f32
    %min3A_214 = vector.broadcast %min3A_213 : f32 to vector<64x20x20xf32>
    %min3A_215 = arith.minimumf %dot_general3A_111, %min3A_214 : vector<64x20x20xf32>
    %exp3A_216 = math.exp %min3A_215 : vector<64x20x20xf32>
    %convert_element_type3A_217 = arith.truncf %exp3A_216 : vector<64x20x20xf32> to vector<64x20x20xbf16>
    %min3A_218 = arith.constant 6.000000e+01 : f32
    %min3A_219 = vector.broadcast %min3A_218 : f32 to vector<64x20x20xf32>
    %min3A_220 = arith.minimumf %dot_general3A_117, %min3A_219 : vector<64x20x20xf32>
    %exp3A_221 = math.exp %min3A_220 : vector<64x20x20xf32>
    %convert_element_type3A_222 = arith.truncf %exp3A_221 : vector<64x20x20xf32> to vector<64x20x20xbf16>
    %min3A_223 = arith.constant 6.000000e+01 : f32
    %min3A_224 = vector.broadcast %min3A_223 : f32 to vector<64x20x20xf32>
    %min3A_225 = arith.minimumf %dot_general3A_123, %min3A_224 : vector<64x20x20xf32>
    %exp3A_226 = math.exp %min3A_225 : vector<64x20x20xf32>
    %convert_element_type3A_227 = arith.truncf %exp3A_226 : vector<64x20x20xf32> to vector<64x20x20xbf16>
    %min3A_228 = arith.constant 6.000000e+01 : f32
    %min3A_229 = vector.broadcast %min3A_228 : f32 to vector<64x20x20xf32>
    %min3A_230 = arith.minimumf %dot_general3A_129, %min3A_229 : vector<64x20x20xf32>
    %exp3A_231 = math.exp %min3A_230 : vector<64x20x20xf32>
    %convert_element_type3A_232 = arith.truncf %exp3A_231 : vector<64x20x20xf32> to vector<64x20x20xbf16>
    %min3A_233 = arith.constant 6.000000e+01 : f32
    %min3A_234 = vector.broadcast %min3A_233 : f32 to vector<64x20x20xf32>
    %min3A_235 = arith.minimumf %dot_general3A_135, %min3A_234 : vector<64x20x20xf32>
    %exp3A_236 = math.exp %min3A_235 : vector<64x20x20xf32>
    %convert_element_type3A_237 = arith.truncf %exp3A_236 : vector<64x20x20xf32> to vector<64x20x20xbf16>
    %min3A_238 = arith.constant 6.000000e+01 : f32
    %min3A_239 = vector.broadcast %min3A_238 : f32 to vector<64x20x20xf32>
    %min3A_240 = arith.minimumf %dot_general3A_141, %min3A_239 : vector<64x20x20xf32>
    %exp3A_241 = math.exp %min3A_240 : vector<64x20x20xf32>
    %convert_element_type3A_242 = arith.truncf %exp3A_241 : vector<64x20x20xf32> to vector<64x20x20xbf16>
    %min3A_243 = arith.constant 6.000000e+01 : f32
    %min3A_244 = vector.broadcast %min3A_243 : f32 to vector<64x20x20xf32>
    %min3A_245 = arith.minimumf %dot_general3A_147, %min3A_244 : vector<64x20x20xf32>
    %exp3A_246 = math.exp %min3A_245 : vector<64x20x20xf32>
    %convert_element_type3A_247 = arith.truncf %exp3A_246 : vector<64x20x20xf32> to vector<64x20x20xbf16>
    %min3A_248 = arith.constant 6.000000e+01 : f32
    %min3A_249 = vector.broadcast %min3A_248 : f32 to vector<64x20x20xf32>
    %min3A_250 = arith.minimumf %dot_general3A_153, %min3A_249 : vector<64x20x20xf32>
    %exp3A_251 = math.exp %min3A_250 : vector<64x20x20xf32>
    %convert_element_type3A_252 = arith.truncf %exp3A_251 : vector<64x20x20xf32> to vector<64x20x20xbf16>
    %min3A_253 = arith.constant 6.000000e+01 : f32
    %min3A_254 = vector.broadcast %min3A_253 : f32 to vector<64x20x20xf32>
    %min3A_255 = arith.minimumf %dot_general3A_159, %min3A_254 : vector<64x20x20xf32>
    %exp3A_256 = math.exp %min3A_255 : vector<64x20x20xf32>
    %convert_element_type3A_257 = arith.truncf %exp3A_256 : vector<64x20x20xf32> to vector<64x20x20xbf16>
    %slice3A_258 = vector.extract_strided_slice %reshape3A_40 {offsets = [0, 0, 0], sizes = [64, 20, 20], strides = [1, 1, 1]} : vector<64x20x400xf32> to vector<64x20x20xf32>
    %convert_element_type3A_259 = arith.truncf %slice3A_258 : vector<64x20x20xf32> to vector<64x20x20xbf16>
    %dot_general3A_260 = arith.constant dense<0.000000e+00> : vector<64x20x20xf32>
    %dot_general3A_261 = tpu.matmul %convert_element_type3A_162, %convert_element_type3A_259, %dot_general3A_260 {dimension_numbers = #tpu.dot_dimension_numbers<[2], [1], [1], [2], [0, 0, 0, 1, 1, 2], [0], [0]>, transpose_lhs_hint = false} : vector<64x20x20xbf16>, vector<64x20x20xbf16>, vector<64x20x20xf32> -> vector<64x20x20xf32>
    %slice3A_262 = vector.extract_strided_slice %reshape3A_40 {offsets = [0, 0, 20], sizes = [64, 20, 20], strides = [1, 1, 1]} : vector<64x20x400xf32> to vector<64x20x20xf32>
    %convert_element_type3A_263 = arith.truncf %slice3A_262 : vector<64x20x20xf32> to vector<64x20x20xbf16>
    %dot_general3A_264 = arith.constant dense<0.000000e+00> : vector<64x20x20xf32>
    %dot_general3A_265 = tpu.matmul %convert_element_type3A_167, %convert_element_type3A_263, %dot_general3A_264 {dimension_numbers = #tpu.dot_dimension_numbers<[2], [1], [1], [2], [0, 0, 0, 1, 1, 2], [0], [0]>, transpose_lhs_hint = false} : vector<64x20x20xbf16>, vector<64x20x20xbf16>, vector<64x20x20xf32> -> vector<64x20x20xf32>
    %slice3A_266 = vector.extract_strided_slice %reshape3A_40 {offsets = [0, 0, 40], sizes = [64, 20, 20], strides = [1, 1, 1]} : vector<64x20x400xf32> to vector<64x20x20xf32>
    %convert_element_type3A_267 = arith.truncf %slice3A_266 : vector<64x20x20xf32> to vector<64x20x20xbf16>
    %dot_general3A_268 = arith.constant dense<0.000000e+00> : vector<64x20x20xf32>
    %dot_general3A_269 = tpu.matmul %convert_element_type3A_172, %convert_element_type3A_267, %dot_general3A_268 {dimension_numbers = #tpu.dot_dimension_numbers<[2], [1], [1], [2], [0, 0, 0, 1, 1, 2], [0], [0]>, transpose_lhs_hint = false} : vector<64x20x20xbf16>, vector<64x20x20xbf16>, vector<64x20x20xf32> -> vector<64x20x20xf32>
    %slice3A_270 = vector.extract_strided_slice %reshape3A_40 {offsets = [0, 0, 60], sizes = [64, 20, 20], strides = [1, 1, 1]} : vector<64x20x400xf32> to vector<64x20x20xf32>
    %convert_element_type3A_271 = arith.truncf %slice3A_270 : vector<64x20x20xf32> to vector<64x20x20xbf16>
    %dot_general3A_272 = arith.constant dense<0.000000e+00> : vector<64x20x20xf32>
    %dot_general3A_273 = tpu.matmul %convert_element_type3A_177, %convert_element_type3A_271, %dot_general3A_272 {dimension_numbers = #tpu.dot_dimension_numbers<[2], [1], [1], [2], [0, 0, 0, 1, 1, 2], [0], [0]>, transpose_lhs_hint = false} : vector<64x20x20xbf16>, vector<64x20x20xbf16>, vector<64x20x20xf32> -> vector<64x20x20xf32>
    %slice3A_274 = vector.extract_strided_slice %reshape3A_40 {offsets = [0, 0, 80], sizes = [64, 20, 20], strides = [1, 1, 1]} : vector<64x20x400xf32> to vector<64x20x20xf32>
    %convert_element_type3A_275 = arith.truncf %slice3A_274 : vector<64x20x20xf32> to vector<64x20x20xbf16>
    %dot_general3A_276 = arith.constant dense<0.000000e+00> : vector<64x20x20xf32>
    %dot_general3A_277 = tpu.matmul %convert_element_type3A_182, %convert_element_type3A_275, %dot_general3A_276 {dimension_numbers = #tpu.dot_dimension_numbers<[2], [1], [1], [2], [0, 0, 0, 1, 1, 2], [0], [0]>, transpose_lhs_hint = false} : vector<64x20x20xbf16>, vector<64x20x20xbf16>, vector<64x20x20xf32> -> vector<64x20x20xf32>
    %slice3A_278 = vector.extract_strided_slice %reshape3A_40 {offsets = [0, 0, 100], sizes = [64, 20, 20], strides = [1, 1, 1]} : vector<64x20x400xf32> to vector<64x20x20xf32>
    %convert_element_type3A_279 = arith.truncf %slice3A_278 : vector<64x20x20xf32> to vector<64x20x20xbf16>
    %dot_general3A_280 = arith.constant dense<0.000000e+00> : vector<64x20x20xf32>
    %dot_general3A_281 = tpu.matmul %convert_element_type3A_187, %convert_element_type3A_279, %dot_general3A_280 {dimension_numbers = #tpu.dot_dimension_numbers<[2], [1], [1], [2], [0, 0, 0, 1, 1, 2], [0], [0]>, transpose_lhs_hint = false} : vector<64x20x20xbf16>, vector<64x20x20xbf16>, vector<64x20x20xf32> -> vector<64x20x20xf32>
    %slice3A_282 = vector.extract_strided_slice %reshape3A_40 {offsets = [0, 0, 120], sizes = [64, 20, 20], strides = [1, 1, 1]} : vector<64x20x400xf32> to vector<64x20x20xf32>
    %convert_element_type3A_283 = arith.truncf %slice3A_282 : vector<64x20x20xf32> to vector<64x20x20xbf16>
    %dot_general3A_284 = arith.constant dense<0.000000e+00> : vector<64x20x20xf32>
    %dot_general3A_285 = tpu.matmul %convert_element_type3A_192, %convert_element_type3A_283, %dot_general3A_284 {dimension_numbers = #tpu.dot_dimension_numbers<[2], [1], [1], [2], [0, 0, 0, 1, 1, 2], [0], [0]>, transpose_lhs_hint = false} : vector<64x20x20xbf16>, vector<64x20x20xbf16>, vector<64x20x20xf32> -> vector<64x20x20xf32>
    %slice3A_286 = vector.extract_strided_slice %reshape3A_40 {offsets = [0, 0, 140], sizes = [64, 20, 20], strides = [1, 1, 1]} : vector<64x20x400xf32> to vector<64x20x20xf32>
    %convert_element_type3A_287 = arith.truncf %slice3A_286 : vector<64x20x20xf32> to vector<64x20x20xbf16>
    %dot_general3A_288 = arith.constant dense<0.000000e+00> : vector<64x20x20xf32>
    %dot_general3A_289 = tpu.matmul %convert_element_type3A_197, %convert_element_type3A_287, %dot_general3A_288 {dimension_numbers = #tpu.dot_dimension_numbers<[2], [1], [1], [2], [0, 0, 0, 1, 1, 2], [0], [0]>, transpose_lhs_hint = false} : vector<64x20x20xbf16>, vector<64x20x20xbf16>, vector<64x20x20xf32> -> vector<64x20x20xf32>
    %slice3A_290 = vector.extract_strided_slice %reshape3A_40 {offsets = [0, 0, 160], sizes = [64, 20, 20], strides = [1, 1, 1]} : vector<64x20x400xf32> to vector<64x20x20xf32>
    %convert_element_type3A_291 = arith.truncf %slice3A_290 : vector<64x20x20xf32> to vector<64x20x20xbf16>
    %dot_general3A_292 = arith.constant dense<0.000000e+00> : vector<64x20x20xf32>
    %dot_general3A_293 = tpu.matmul %convert_element_type3A_202, %convert_element_type3A_291, %dot_general3A_292 {dimension_numbers = #tpu.dot_dimension_numbers<[2], [1], [1], [2], [0, 0, 0, 1, 1, 2], [0], [0]>, transpose_lhs_hint = false} : vector<64x20x20xbf16>, vector<64x20x20xbf16>, vector<64x20x20xf32> -> vector<64x20x20xf32>
    %slice3A_294 = vector.extract_strided_slice %reshape3A_40 {offsets = [0, 0, 180], sizes = [64, 20, 20], strides = [1, 1, 1]} : vector<64x20x400xf32> to vector<64x20x20xf32>
    %convert_element_type3A_295 = arith.truncf %slice3A_294 : vector<64x20x20xf32> to vector<64x20x20xbf16>
    %dot_general3A_296 = arith.constant dense<0.000000e+00> : vector<64x20x20xf32>
    %dot_general3A_297 = tpu.matmul %convert_element_type3A_207, %convert_element_type3A_295, %dot_general3A_296 {dimension_numbers = #tpu.dot_dimension_numbers<[2], [1], [1], [2], [0, 0, 0, 1, 1, 2], [0], [0]>, transpose_lhs_hint = false} : vector<64x20x20xbf16>, vector<64x20x20xbf16>, vector<64x20x20xf32> -> vector<64x20x20xf32>
    %slice3A_298 = vector.extract_strided_slice %reshape3A_40 {offsets = [0, 0, 200], sizes = [64, 20, 20], strides = [1, 1, 1]} : vector<64x20x400xf32> to vector<64x20x20xf32>
    %convert_element_type3A_299 = arith.truncf %slice3A_298 : vector<64x20x20xf32> to vector<64x20x20xbf16>
    %dot_general3A_300 = arith.constant dense<0.000000e+00> : vector<64x20x20xf32>
    %dot_general3A_301 = tpu.matmul %convert_element_type3A_212, %convert_element_type3A_299, %dot_general3A_300 {dimension_numbers = #tpu.dot_dimension_numbers<[2], [1], [1], [2], [0, 0, 0, 1, 1, 2], [0], [0]>, transpose_lhs_hint = false} : vector<64x20x20xbf16>, vector<64x20x20xbf16>, vector<64x20x20xf32> -> vector<64x20x20xf32>
    %slice3A_302 = vector.extract_strided_slice %reshape3A_40 {offsets = [0, 0, 220], sizes = [64, 20, 20], strides = [1, 1, 1]} : vector<64x20x400xf32> to vector<64x20x20xf32>
    %convert_element_type3A_303 = arith.truncf %slice3A_302 : vector<64x20x20xf32> to vector<64x20x20xbf16>
    %dot_general3A_304 = arith.constant dense<0.000000e+00> : vector<64x20x20xf32>
    %dot_general3A_305 = tpu.matmul %convert_element_type3A_217, %convert_element_type3A_303, %dot_general3A_304 {dimension_numbers = #tpu.dot_dimension_numbers<[2], [1], [1], [2], [0, 0, 0, 1, 1, 2], [0], [0]>, transpose_lhs_hint = false} : vector<64x20x20xbf16>, vector<64x20x20xbf16>, vector<64x20x20xf32> -> vector<64x20x20xf32>
    %slice3A_306 = vector.extract_strided_slice %reshape3A_40 {offsets = [0, 0, 240], sizes = [64, 20, 20], strides = [1, 1, 1]} : vector<64x20x400xf32> to vector<64x20x20xf32>
    %convert_element_type3A_307 = arith.truncf %slice3A_306 : vector<64x20x20xf32> to vector<64x20x20xbf16>
    %dot_general3A_308 = arith.constant dense<0.000000e+00> : vector<64x20x20xf32>
    %dot_general3A_309 = tpu.matmul %convert_element_type3A_222, %convert_element_type3A_307, %dot_general3A_308 {dimension_numbers = #tpu.dot_dimension_numbers<[2], [1], [1], [2], [0, 0, 0, 1, 1, 2], [0], [0]>, transpose_lhs_hint = false} : vector<64x20x20xbf16>, vector<64x20x20xbf16>, vector<64x20x20xf32> -> vector<64x20x20xf32>
    %slice3A_310 = vector.extract_strided_slice %reshape3A_40 {offsets = [0, 0, 260], sizes = [64, 20, 20], strides = [1, 1, 1]} : vector<64x20x400xf32> to vector<64x20x20xf32>
    %convert_element_type3A_311 = arith.truncf %slice3A_310 : vector<64x20x20xf32> to vector<64x20x20xbf16>
    %dot_general3A_312 = arith.constant dense<0.000000e+00> : vector<64x20x20xf32>
    %dot_general3A_313 = tpu.matmul %convert_element_type3A_227, %convert_element_type3A_311, %dot_general3A_312 {dimension_numbers = #tpu.dot_dimension_numbers<[2], [1], [1], [2], [0, 0, 0, 1, 1, 2], [0], [0]>, transpose_lhs_hint = false} : vector<64x20x20xbf16>, vector<64x20x20xbf16>, vector<64x20x20xf32> -> vector<64x20x20xf32>
    %slice3A_314 = vector.extract_strided_slice %reshape3A_40 {offsets = [0, 0, 280], sizes = [64, 20, 20], strides = [1, 1, 1]} : vector<64x20x400xf32> to vector<64x20x20xf32>
    %convert_element_type3A_315 = arith.truncf %slice3A_314 : vector<64x20x20xf32> to vector<64x20x20xbf16>
    %dot_general3A_316 = arith.constant dense<0.000000e+00> : vector<64x20x20xf32>
    %dot_general3A_317 = tpu.matmul %convert_element_type3A_232, %convert_element_type3A_315, %dot_general3A_316 {dimension_numbers = #tpu.dot_dimension_numbers<[2], [1], [1], [2], [0, 0, 0, 1, 1, 2], [0], [0]>, transpose_lhs_hint = false} : vector<64x20x20xbf16>, vector<64x20x20xbf16>, vector<64x20x20xf32> -> vector<64x20x20xf32>
    %slice3A_318 = vector.extract_strided_slice %reshape3A_40 {offsets = [0, 0, 300], sizes = [64, 20, 20], strides = [1, 1, 1]} : vector<64x20x400xf32> to vector<64x20x20xf32>
    %convert_element_type3A_319 = arith.truncf %slice3A_318 : vector<64x20x20xf32> to vector<64x20x20xbf16>
    %dot_general3A_320 = arith.constant dense<0.000000e+00> : vector<64x20x20xf32>
    %dot_general3A_321 = tpu.matmul %convert_element_type3A_237, %convert_element_type3A_319, %dot_general3A_320 {dimension_numbers = #tpu.dot_dimension_numbers<[2], [1], [1], [2], [0, 0, 0, 1, 1, 2], [0], [0]>, transpose_lhs_hint = false} : vector<64x20x20xbf16>, vector<64x20x20xbf16>, vector<64x20x20xf32> -> vector<64x20x20xf32>
    %slice3A_322 = vector.extract_strided_slice %reshape3A_40 {offsets = [0, 0, 320], sizes = [64, 20, 20], strides = [1, 1, 1]} : vector<64x20x400xf32> to vector<64x20x20xf32>
    %convert_element_type3A_323 = arith.truncf %slice3A_322 : vector<64x20x20xf32> to vector<64x20x20xbf16>
    %dot_general3A_324 = arith.constant dense<0.000000e+00> : vector<64x20x20xf32>
    %dot_general3A_325 = tpu.matmul %convert_element_type3A_242, %convert_element_type3A_323, %dot_general3A_324 {dimension_numbers = #tpu.dot_dimension_numbers<[2], [1], [1], [2], [0, 0, 0, 1, 1, 2], [0], [0]>, transpose_lhs_hint = false} : vector<64x20x20xbf16>, vector<64x20x20xbf16>, vector<64x20x20xf32> -> vector<64x20x20xf32>
    %slice3A_326 = vector.extract_strided_slice %reshape3A_40 {offsets = [0, 0, 340], sizes = [64, 20, 20], strides = [1, 1, 1]} : vector<64x20x400xf32> to vector<64x20x20xf32>
    %convert_element_type3A_327 = arith.truncf %slice3A_326 : vector<64x20x20xf32> to vector<64x20x20xbf16>
    %dot_general3A_328 = arith.constant dense<0.000000e+00> : vector<64x20x20xf32>
    %dot_general3A_329 = tpu.matmul %convert_element_type3A_247, %convert_element_type3A_327, %dot_general3A_328 {dimension_numbers = #tpu.dot_dimension_numbers<[2], [1], [1], [2], [0, 0, 0, 1, 1, 2], [0], [0]>, transpose_lhs_hint = false} : vector<64x20x20xbf16>, vector<64x20x20xbf16>, vector<64x20x20xf32> -> vector<64x20x20xf32>
    %slice3A_330 = vector.extract_strided_slice %reshape3A_40 {offsets = [0, 0, 360], sizes = [64, 20, 20], strides = [1, 1, 1]} : vector<64x20x400xf32> to vector<64x20x20xf32>
    %convert_element_type3A_331 = arith.truncf %slice3A_330 : vector<64x20x20xf32> to vector<64x20x20xbf16>
    %dot_general3A_332 = arith.constant dense<0.000000e+00> : vector<64x20x20xf32>
    %dot_general3A_333 = tpu.matmul %convert_element_type3A_252, %convert_element_type3A_331, %dot_general3A_332 {dimension_numbers = #tpu.dot_dimension_numbers<[2], [1], [1], [2], [0, 0, 0, 1, 1, 2], [0], [0]>, transpose_lhs_hint = false} : vector<64x20x20xbf16>, vector<64x20x20xbf16>, vector<64x20x20xf32> -> vector<64x20x20xf32>
    %slice3A_334 = vector.extract_strided_slice %reshape3A_40 {offsets = [0, 0, 380], sizes = [64, 20, 20], strides = [1, 1, 1]} : vector<64x20x400xf32> to vector<64x20x20xf32>
    %convert_element_type3A_335 = arith.truncf %slice3A_334 : vector<64x20x20xf32> to vector<64x20x20xbf16>
    %dot_general3A_336 = arith.constant dense<0.000000e+00> : vector<64x20x20xf32>
    %dot_general3A_337 = tpu.matmul %convert_element_type3A_257, %convert_element_type3A_335, %dot_general3A_336 {dimension_numbers = #tpu.dot_dimension_numbers<[2], [1], [1], [2], [0, 0, 0, 1, 1, 2], [0], [0]>, transpose_lhs_hint = false} : vector<64x20x20xbf16>, vector<64x20x20xbf16>, vector<64x20x20xf32> -> vector<64x20x20xf32>
    %concatenate3A = tpu.concatenate %dot_general3A_261, %dot_general3A_265, %dot_general3A_269, %dot_general3A_273, %dot_general3A_277, %dot_general3A_281, %dot_general3A_285, %dot_general3A_289, %dot_general3A_293, %dot_general3A_297, %dot_general3A_301, %dot_general3A_305, %dot_general3A_309, %dot_general3A_313, %dot_general3A_317, %dot_general3A_321, %dot_general3A_325, %dot_general3A_329, %dot_general3A_333, %dot_general3A_337 in 2 : vector<64x20x20xf32>, vector<64x20x20xf32>, vector<64x20x20xf32>, vector<64x20x20xf32>, vector<64x20x20xf32>, vector<64x20x20xf32>, vector<64x20x20xf32>, vector<64x20x20xf32>, vector<64x20x20xf32>, vector<64x20x20xf32>, vector<64x20x20xf32>, vector<64x20x20xf32>, vector<64x20x20xf32>, vector<64x20x20xf32>, vector<64x20x20xf32>, vector<64x20x20xf32>, vector<64x20x20xf32>, vector<64x20x20xf32>, vector<64x20x20xf32>, vector<64x20x20xf32> -> vector<64x20x400xf32>
    %concatenate3A_338 = tpu.concatenate %convert_element_type3A_162, %convert_element_type3A_167, %convert_element_type3A_172, %convert_element_type3A_177, %convert_element_type3A_182, %convert_element_type3A_187, %convert_element_type3A_192, %convert_element_type3A_197, %convert_element_type3A_202, %convert_element_type3A_207, %convert_element_type3A_212, %convert_element_type3A_217, %convert_element_type3A_222, %convert_element_type3A_227, %convert_element_type3A_232, %convert_element_type3A_237, %convert_element_type3A_242, %convert_element_type3A_247, %convert_element_type3A_252, %convert_element_type3A_257 in 2 : vector<64x20x20xbf16>, vector<64x20x20xbf16>, vector<64x20x20xbf16>, vector<64x20x20xbf16>, vector<64x20x20xbf16>, vector<64x20x20xbf16>, vector<64x20x20xbf16>, vector<64x20x20xbf16>, vector<64x20x20xbf16>, vector<64x20x20xbf16>, vector<64x20x20xbf16>, vector<64x20x20xbf16>, vector<64x20x20xbf16>, vector<64x20x20xbf16>, vector<64x20x20xbf16>, vector<64x20x20xbf16>, vector<64x20x20xbf16>, vector<64x20x20xbf16>, vector<64x20x20xbf16>, vector<64x20x20xbf16> -> vector<64x20x400xbf16>
    %reshape3A_339 = vector.shape_cast %concatenate3A_338 : vector<64x20x400xbf16> to vector<1280x400xbf16>
    %get3A_340 = arith.constant 0 : index
    %get3A_341 = arith.constant 0 : index
    %get3A_342 = vector.load %arg3[%get3A_340, %get3A_341] : memref<400x20xbf16, #tpu.memory_space<vmem>>, vector<400x20xbf16>
    %dot_general3A_343 = arith.constant dense<0.000000e+00> : vector<1280x20xf32>
    %dot_general3A_344 = tpu.matmul %reshape3A_339, %get3A_342, %dot_general3A_343 {dimension_numbers = #tpu.dot_dimension_numbers<[1], [0], [0], [1], [0, 0, 1, 1], [], []>, transpose_lhs_hint = false} : vector<1280x400xbf16>, vector<400x20xbf16>, vector<1280x20xf32> -> vector<1280x20xf32>
    %max3A = arith.constant 1.000000e-30 : f32
    %max3A_345 = vector.broadcast %max3A : f32 to vector<1280x20xf32>
    %max3A_346 = arith.maximumf %dot_general3A_344, %max3A_345 : vector<1280x20xf32>
    %div3A = arith.constant 1.000000e+00 : f32
    %div3A_347 = vector.broadcast %div3A : f32 to vector<1280x20xf32>
    %div3A_348 = arith.divf %div3A_347, %max3A_346 : vector<1280x20xf32>
    %convert_element_type3A_349 = arith.truncf %div3A_348 : vector<1280x20xf32> to vector<1280x20xbf16>
    %get3A_350 = arith.constant 0 : index
    %get3A_351 = arith.constant 0 : index
    %get3A_352 = vector.load %arg4[%get3A_350, %get3A_351] : memref<20x400xbf16, #tpu.memory_space<vmem>>, vector<20x400xbf16>
    %dot_general3A_353 = arith.constant dense<0.000000e+00> : vector<1280x400xf32>
    %dot_general3A_354 = tpu.matmul %convert_element_type3A_349, %get3A_352, %dot_general3A_353 {dimension_numbers = #tpu.dot_dimension_numbers<[1], [0], [0], [1], [0, 0, 1, 1], [], []>, transpose_lhs_hint = false} : vector<1280x20xbf16>, vector<20x400xbf16>, vector<1280x400xf32> -> vector<1280x400xf32>
    %reshape3A_355 = vector.shape_cast %concatenate3A : vector<64x20x400xf32> to vector<1280x400xf32>
    %mul3A_356 = arith.mulf %reshape3A_355, %dot_general3A_354 : vector<1280x400xf32>
    %get3A_357 = arith.constant 0 : index
    %get3A_358 = arith.constant 0 : index
    %get3A_359 = vector.load %arg13[%get3A_357, %get3A_358] : memref<1x400xf32, #tpu.memory_space<vmem>>, vector<1x400xf32>
    %get3A_360 = arith.constant 0 : index
    %get3A_361 = arith.constant 0 : index
    %get3A_362 = vector.load %arg14[%get3A_360, %get3A_361] : memref<1x400xf32, #tpu.memory_space<vmem>>, vector<1x400xf32>
    %reduce_sum3A = arith.constant dense<0.000000e+00> : vector<1280xf32>
    %reduce_sum3A_363 = vector.multi_reduction <add>, %mul3A_356, %reduce_sum3A [1] : vector<1280x400xf32> to vector<1280xf32>
    %broadcast_in_dim3A = vector.shape_cast %reduce_sum3A_363 : vector<1280xf32> to vector<1280x1xf32>
    %div3A_364 = arith.constant 4.000000e+02 : f32
    %div3A_365 = vector.broadcast %div3A_364 : f32 to vector<1280x1xf32>
    %div3A_366 = arith.divf %broadcast_in_dim3A, %div3A_365 : vector<1280x1xf32>
    %sub3A = vector.broadcast %div3A_366 : vector<1280x1xf32> to vector<1280x400xf32>
    %sub3A_367 = arith.subf %mul3A_356, %sub3A : vector<1280x400xf32>
    %sub3A_368 = vector.broadcast %div3A_366 : vector<1280x1xf32> to vector<1280x400xf32>
    %sub3A_369 = arith.subf %mul3A_356, %sub3A_368 : vector<1280x400xf32>
    %mul3A_370 = arith.mulf %sub3A_367, %sub3A_369 : vector<1280x400xf32>
    %reduce_sum3A_371 = arith.constant dense<0.000000e+00> : vector<1280xf32>
    %reduce_sum3A_372 = vector.multi_reduction <add>, %mul3A_370, %reduce_sum3A_371 [1] : vector<1280x400xf32> to vector<1280xf32>
    %broadcast_in_dim3A_373 = vector.shape_cast %reduce_sum3A_372 : vector<1280xf32> to vector<1280x1xf32>
    %div3A_374 = arith.constant 4.000000e+02 : f32
    %div3A_375 = vector.broadcast %div3A_374 : f32 to vector<1280x1xf32>
    %div3A_376 = arith.divf %broadcast_in_dim3A_373, %div3A_375 : vector<1280x1xf32>
    %sub3A_377 = vector.broadcast %div3A_366 : vector<1280x1xf32> to vector<1280x400xf32>
    %sub3A_378 = arith.subf %mul3A_356, %sub3A_377 : vector<1280x400xf32>
    %add3A_379 = arith.constant 9.99999974E-6 : f32
    %add3A_380 = vector.broadcast %add3A_379 : f32 to vector<1280x1xf32>
    %add3A_381 = arith.addf %div3A_376, %add3A_380 : vector<1280x1xf32>
    %rsqrt3A = math.rsqrt %add3A_381 : vector<1280x1xf32>
    %mul3A_382 = vector.broadcast %rsqrt3A : vector<1280x1xf32> to vector<1280x400xf32>
    %mul3A_383 = arith.mulf %sub3A_378, %mul3A_382 : vector<1280x400xf32>
    %mul3A_384 = vector.broadcast %get3A_359 : vector<1x400xf32> to vector<1280x400xf32>
    %mul3A_385 = arith.mulf %mul3A_383, %mul3A_384 : vector<1280x400xf32>
    %add3A_386 = vector.broadcast %get3A_362 : vector<1x400xf32> to vector<1280x400xf32>
    %add3A_387 = arith.addf %mul3A_385, %add3A_386 : vector<1280x400xf32>
    %get3A_388 = arith.constant 0 : index
    %get3A_389 = arith.constant 0 : index
    %get3A_390 = vector.load %arg15[%get3A_388, %get3A_389] : memref<400x200xf32, #tpu.memory_space<vmem>>, vector<400x200xf32>
    %get3A_391 = arith.constant 0 : index
    %get3A_392 = arith.constant 0 : index
    %get3A_393 = vector.load %arg16[%get3A_391, %get3A_392] : memref<1x200xf32, #tpu.memory_space<vmem>>, vector<1x200xf32>
    %get3A_394 = arith.constant 0 : index
    %get3A_395 = arith.constant 0 : index
    %get3A_396 = vector.load %arg17[%get3A_394, %get3A_395] : memref<200x1xf32, #tpu.memory_space<vmem>>, vector<200x1xf32>
    %get3A_397 = arith.constant 0 : index
    %get3A_398 = arith.constant 0 : index
    %get3A_399 = vector.load %arg5[%get3A_397, %get3A_398] : memref<64x1280xbf16, #tpu.memory_space<vmem>>, vector<64x1280xbf16>
    %get3A_400 = arith.constant 0 : index
    %get3A_401 = arith.constant 0 : index
    %get3A_402 = vector.load %arg6[%get3A_400, %get3A_401] : memref<1280x64xbf16, #tpu.memory_space<vmem>>, vector<1280x64xbf16>
    %convert_element_type3A_403 = arith.truncf %add3A_387 : vector<1280x400xf32> to vector<1280x400xbf16>
    %convert_element_type3A_404 = arith.truncf %get3A_390 : vector<400x200xf32> to vector<400x200xbf16>
    %dot_general3A_405 = arith.constant dense<0.000000e+00> : vector<1280x200xf32>
    %dot_general3A_406 = tpu.matmul %convert_element_type3A_403, %convert_element_type3A_404, %dot_general3A_405 {dimension_numbers = #tpu.dot_dimension_numbers<[1], [0], [0], [1], [0, 0, 1, 1], [], []>, transpose_lhs_hint = false} : vector<1280x400xbf16>, vector<400x200xbf16>, vector<1280x200xf32> -> vector<1280x200xf32>
    %add3A_407 = vector.broadcast %get3A_393 : vector<1x200xf32> to vector<1280x200xf32>
    %add3A_408 = arith.addf %dot_general3A_406, %add3A_407 : vector<1280x200xf32>
    %tanh3A = math.tanh %add3A_408 : vector<1280x200xf32>
    %convert_element_type3A_409 = arith.truncf %tanh3A : vector<1280x200xf32> to vector<1280x200xbf16>
    %convert_element_type3A_410 = arith.truncf %get3A_396 : vector<200x1xf32> to vector<200x1xbf16>
    %dot_general3A_411 = arith.constant dense<0.000000e+00> : vector<1280x1xf32>
    %dot_general3A_412 = tpu.matmul %convert_element_type3A_409, %convert_element_type3A_410, %dot_general3A_411 {dimension_numbers = #tpu.dot_dimension_numbers<[1], [0], [0], [1], [0, 0, 1, 1], [], []>, transpose_lhs_hint = false} : vector<1280x200xbf16>, vector<200x1xbf16>, vector<1280x1xf32> -> vector<1280x1xf32>
    %sub3A_413 = arith.constant 2.000000e+01 : f32
    %sub3A_414 = vector.broadcast %sub3A_413 : f32 to vector<1280x1xf32>
    %sub3A_415 = arith.subf %dot_general3A_412, %sub3A_414 : vector<1280x1xf32>
    %exp3A_416 = math.exp %sub3A_415 : vector<1280x1xf32>
    %convert_element_type3A_417 = arith.truncf %exp3A_416 : vector<1280x1xf32> to vector<1280x1xbf16>
    %dot_general3A_418 = arith.constant dense<0.000000e+00> : vector<64x1xf32>
    %dot_general3A_419 = tpu.matmul %get3A_399, %convert_element_type3A_417, %dot_general3A_418 {dimension_numbers = #tpu.dot_dimension_numbers<[1], [0], [0], [1], [0, 0, 1, 1], [], []>, transpose_lhs_hint = false} : vector<64x1280xbf16>, vector<1280x1xbf16>, vector<64x1xf32> -> vector<64x1xf32>
    %div3A_420 = arith.constant 1.000000e+00 : f32
    %div3A_421 = vector.broadcast %div3A_420 : f32 to vector<64x1xf32>
    %div3A_422 = arith.divf %div3A_421, %dot_general3A_419 : vector<64x1xf32>
    %convert_element_type3A_423 = arith.truncf %div3A_422 : vector<64x1xf32> to vector<64x1xbf16>
    %dot_general3A_424 = arith.constant dense<0.000000e+00> : vector<1280x1xf32>
    %dot_general3A_425 = tpu.matmul %get3A_402, %convert_element_type3A_423, %dot_general3A_424 {dimension_numbers = #tpu.dot_dimension_numbers<[1], [0], [0], [1], [0, 0, 1, 1], [], []>, transpose_lhs_hint = false} : vector<1280x64xbf16>, vector<64x1xbf16>, vector<1280x1xf32> -> vector<1280x1xf32>
    %mul3A_426 = arith.mulf %exp3A_416, %dot_general3A_425 : vector<1280x1xf32>
    %mul3A_427 = vector.broadcast %mul3A_426 : vector<1280x1xf32> to vector<1280x400xf32>
    %mul3A_428 = arith.mulf %mul3A_427, %add3A_387 : vector<1280x400xf32>
    %convert_element_type3A_429 = arith.truncf %mul3A_428 : vector<1280x400xf32> to vector<1280x400xbf16>
    %dot_general3A_430 = arith.constant dense<0.000000e+00> : vector<64x400xf32>
    %dot_general3A_431 = tpu.matmul %get3A_399, %convert_element_type3A_429, %dot_general3A_430 {dimension_numbers = #tpu.dot_dimension_numbers<[1], [0], [0], [1], [0, 0, 1, 1], [], []>, transpose_lhs_hint = false} : vector<64x1280xbf16>, vector<1280x400xbf16>, vector<64x400xf32> -> vector<64x400xf32>
    %get3A_432 = arith.constant 0 : index
    %get3A_433 = arith.constant 0 : index
    %get3A_434 = vector.load %arg18[%get3A_432, %get3A_433] : memref<1x400xf32, #tpu.memory_space<vmem>>, vector<1x400xf32>
    %get3A_435 = arith.constant 0 : index
    %get3A_436 = arith.constant 0 : index
    %get3A_437 = vector.load %arg19[%get3A_435, %get3A_436] : memref<1x400xf32, #tpu.memory_space<vmem>>, vector<1x400xf32>
    %reduce_sum3A_438 = arith.constant dense<0.000000e+00> : vector<64xf32>
    %reduce_sum3A_439 = vector.multi_reduction <add>, %dot_general3A_431, %reduce_sum3A_438 [1] : vector<64x400xf32> to vector<64xf32>
    %broadcast_in_dim3A_440 = vector.shape_cast %reduce_sum3A_439 : vector<64xf32> to vector<64x1xf32>
    %div3A_441 = arith.constant 4.000000e+02 : f32
    %div3A_442 = vector.broadcast %div3A_441 : f32 to vector<64x1xf32>
    %div3A_443 = arith.divf %broadcast_in_dim3A_440, %div3A_442 : vector<64x1xf32>
    %sub3A_444 = vector.broadcast %div3A_443 : vector<64x1xf32> to vector<64x400xf32>
    %sub3A_445 = arith.subf %dot_general3A_431, %sub3A_444 : vector<64x400xf32>
    %sub3A_446 = vector.broadcast %div3A_443 : vector<64x1xf32> to vector<64x400xf32>
    %sub3A_447 = arith.subf %dot_general3A_431, %sub3A_446 : vector<64x400xf32>
    %mul3A_448 = arith.mulf %sub3A_445, %sub3A_447 : vector<64x400xf32>
    %reduce_sum3A_449 = arith.constant dense<0.000000e+00> : vector<64xf32>
    %reduce_sum3A_450 = vector.multi_reduction <add>, %mul3A_448, %reduce_sum3A_449 [1] : vector<64x400xf32> to vector<64xf32>
    %broadcast_in_dim3A_451 = vector.shape_cast %reduce_sum3A_450 : vector<64xf32> to vector<64x1xf32>
    %div3A_452 = arith.constant 4.000000e+02 : f32
    %div3A_453 = vector.broadcast %div3A_452 : f32 to vector<64x1xf32>
    %div3A_454 = arith.divf %broadcast_in_dim3A_451, %div3A_453 : vector<64x1xf32>
    %sub3A_455 = vector.broadcast %div3A_443 : vector<64x1xf32> to vector<64x400xf32>
    %sub3A_456 = arith.subf %dot_general3A_431, %sub3A_455 : vector<64x400xf32>
    %add3A_457 = arith.constant 9.99999974E-6 : f32
    %add3A_458 = vector.broadcast %add3A_457 : f32 to vector<64x1xf32>
    %add3A_459 = arith.addf %div3A_454, %add3A_458 : vector<64x1xf32>
    %rsqrt3A_460 = math.rsqrt %add3A_459 : vector<64x1xf32>
    %mul3A_461 = vector.broadcast %rsqrt3A_460 : vector<64x1xf32> to vector<64x400xf32>
    %mul3A_462 = arith.mulf %sub3A_456, %mul3A_461 : vector<64x400xf32>
    %mul3A_463 = vector.broadcast %get3A_434 : vector<1x400xf32> to vector<64x400xf32>
    %mul3A_464 = arith.mulf %mul3A_462, %mul3A_463 : vector<64x400xf32>
    %add3A_465 = vector.broadcast %get3A_437 : vector<1x400xf32> to vector<64x400xf32>
    %add3A_466 = arith.addf %mul3A_464, %add3A_465 : vector<64x400xf32>
    %swap3A = arith.constant 0 : index
    %swap3A_467 = arith.constant 0 : index
    %swap3A_468 = vector.load %arg30[%swap3A, %swap3A_467] : memref<64x400xf32, #tpu.memory_space<vmem>>, vector<64x400xf32>
    tpu.vector_store %arg30[%swap3A, %swap3A_467], %add3A_466 {strides = array<i32>} : memref<64x400xf32, #tpu.memory_space<vmem>>, vector<64x400xf32>,
    %get3A_469 = arith.constant 0 : index
    %get3A_470 = arith.constant 0 : index
    %get3A_471 = arith.constant 0 : index
    %get3A_472 = vector.load %arg2[%get3A_469, %get3A_470, %get3A_471] : memref<64x20x100xf32, #tpu.memory_space<vmem>>, vector<64x20x100xf32>
    %get3A_473 = arith.constant 0 : index
    %get3A_474 = arith.constant 0 : index
    %get3A_475 = vector.load %arg20[%get3A_473, %get3A_474] : memref<20x20xf32, #tpu.memory_space<vmem>>, vector<20x20xf32>
    %convert_element_type3A_476 = arith.truncf %get3A_475 : vector<20x20xf32> to vector<20x20xbf16>
    %broadcast_in_dim3A_477 = vector.shape_cast %convert_element_type3A_476 : vector<20x20xbf16> to vector<1x20x20xbf16>
    %broadcast_in_dim3A_478 = vector.shape_cast %broadcast_in_dim3A_477 : vector<1x20x20xbf16> to vector<1x20x20xbf16>
    %broadcast_in_dim3A_479 = vector.broadcast %broadcast_in_dim3A_478 : vector<1x20x20xbf16> to vector<64x20x20xbf16>
    %convert_element_type3A_480 = arith.truncf %get3A_472 : vector<64x20x100xf32> to vector<64x20x100xbf16>
    %dot_general3A_481 = arith.constant dense<0.000000e+00> : vector<64x20x100xf32>
    %dot_general3A_482 = tpu.matmul %broadcast_in_dim3A_479, %convert_element_type3A_480, %dot_general3A_481 {dimension_numbers = #tpu.dot_dimension_numbers<[2], [1], [1], [2], [0, 0, 0, 1, 1, 2], [0], [0]>, transpose_lhs_hint = false} : vector<64x20x20xbf16>, vector<64x20x100xbf16>, vector<64x20x100xf32> -> vector<64x20x100xf32>
    %reshape3A_483 = vector.shape_cast %dot_general3A_482 : vector<64x20x100xf32> to vector<1280x100xf32>
    %get3A_484 = arith.constant 0 : index
    %get3A_485 = arith.constant 0 : index
    %get3A_486 = vector.load %arg21[%get3A_484, %get3A_485] : memref<100x400xf32, #tpu.memory_space<vmem>>, vector<100x400xf32>
    %convert_element_type3A_487 = arith.truncf %reshape3A_483 : vector<1280x100xf32> to vector<1280x100xbf16>
    %convert_element_type3A_488 = arith.truncf %get3A_486 : vector<100x400xf32> to vector<100x400xbf16>
    %dot_general3A_489 = arith.constant dense<0.000000e+00> : vector<1280x400xf32>
    %dot_general3A_490 = tpu.matmul %convert_element_type3A_487, %convert_element_type3A_488, %dot_general3A_489 {dimension_numbers = #tpu.dot_dimension_numbers<[1], [0], [0], [1], [0, 0, 1, 1], [], []>, transpose_lhs_hint = false} : vector<1280x100xbf16>, vector<100x400xbf16>, vector<1280x400xf32> -> vector<1280x400xf32>
    %get3A_491 = arith.constant 0 : index
    %get3A_492 = arith.constant 0 : index
    %get3A_493 = vector.load %arg22[%get3A_491, %get3A_492] : memref<1x400xf32, #tpu.memory_space<vmem>>, vector<1x400xf32>
    %add3A_494 = vector.broadcast %get3A_493 : vector<1x400xf32> to vector<1280x400xf32>
    %add3A_495 = arith.addf %dot_general3A_490, %add3A_494 : vector<1280x400xf32>
    %max3A_496 = arith.constant 0.000000e+00 : f32
    %max3A_497 = vector.broadcast %max3A_496 : f32 to vector<1280x400xf32>
    %max3A_498 = arith.maximumf %add3A_495, %max3A_497 : vector<1280x400xf32>
    %get3A_499 = arith.constant 0 : index
    %get3A_500 = arith.constant 0 : index
    %get3A_501 = vector.load %arg23[%get3A_499, %get3A_500] : memref<1x400xf32, #tpu.memory_space<vmem>>, vector<1x400xf32>
    %get3A_502 = arith.constant 0 : index
    %get3A_503 = arith.constant 0 : index
    %get3A_504 = vector.load %arg24[%get3A_502, %get3A_503] : memref<1x400xf32, #tpu.memory_space<vmem>>, vector<1x400xf32>
    %reduce_sum3A_505 = arith.constant dense<0.000000e+00> : vector<1280xf32>
    %reduce_sum3A_506 = vector.multi_reduction <add>, %max3A_498, %reduce_sum3A_505 [1] : vector<1280x400xf32> to vector<1280xf32>
    %broadcast_in_dim3A_507 = vector.shape_cast %reduce_sum3A_506 : vector<1280xf32> to vector<1280x1xf32>
    %div3A_508 = arith.constant 4.000000e+02 : f32
    %div3A_509 = vector.broadcast %div3A_508 : f32 to vector<1280x1xf32>
    %div3A_510 = arith.divf %broadcast_in_dim3A_507, %div3A_509 : vector<1280x1xf32>
    %sub3A_511 = vector.broadcast %div3A_510 : vector<1280x1xf32> to vector<1280x400xf32>
    %sub3A_512 = arith.subf %max3A_498, %sub3A_511 : vector<1280x400xf32>
    %sub3A_513 = vector.broadcast %div3A_510 : vector<1280x1xf32> to vector<1280x400xf32>
    %sub3A_514 = arith.subf %max3A_498, %sub3A_513 : vector<1280x400xf32>
    %mul3A_515 = arith.mulf %sub3A_512, %sub3A_514 : vector<1280x400xf32>
    %reduce_sum3A_516 = arith.constant dense<0.000000e+00> : vector<1280xf32>
    %reduce_sum3A_517 = vector.multi_reduction <add>, %mul3A_515, %reduce_sum3A_516 [1] : vector<1280x400xf32> to vector<1280xf32>
    %broadcast_in_dim3A_518 = vector.shape_cast %reduce_sum3A_517 : vector<1280xf32> to vector<1280x1xf32>
    %div3A_519 = arith.constant 4.000000e+02 : f32
    %div3A_520 = vector.broadcast %div3A_519 : f32 to vector<1280x1xf32>
    %div3A_521 = arith.divf %broadcast_in_dim3A_518, %div3A_520 : vector<1280x1xf32>
    %sub3A_522 = vector.broadcast %div3A_510 : vector<1280x1xf32> to vector<1280x400xf32>
    %sub3A_523 = arith.subf %max3A_498, %sub3A_522 : vector<1280x400xf32>
    %add3A_524 = arith.constant 9.99999974E-6 : f32
    %add3A_525 = vector.broadcast %add3A_524 : f32 to vector<1280x1xf32>
    %add3A_526 = arith.addf %div3A_521, %add3A_525 : vector<1280x1xf32>
    %rsqrt3A_527 = math.rsqrt %add3A_526 : vector<1280x1xf32>
    %mul3A_528 = vector.broadcast %rsqrt3A_527 : vector<1280x1xf32> to vector<1280x400xf32>
    %mul3A_529 = arith.mulf %sub3A_523, %mul3A_528 : vector<1280x400xf32>
    %mul3A_530 = vector.broadcast %get3A_501 : vector<1x400xf32> to vector<1280x400xf32>
    %mul3A_531 = arith.mulf %mul3A_529, %mul3A_530 : vector<1280x400xf32>
    %add3A_532 = vector.broadcast %get3A_504 : vector<1x400xf32> to vector<1280x400xf32>
    %add3A_533 = arith.addf %mul3A_531, %add3A_532 : vector<1280x400xf32>
    %get3A_534 = arith.constant 0 : index
    %get3A_535 = arith.constant 0 : index
    %get3A_536 = vector.load %arg25[%get3A_534, %get3A_535] : memref<400x200xf32, #tpu.memory_space<vmem>>, vector<400x200xf32>
    %get3A_537 = arith.constant 0 : index
    %get3A_538 = arith.constant 0 : index
    %get3A_539 = vector.load %arg26[%get3A_537, %get3A_538] : memref<1x200xf32, #tpu.memory_space<vmem>>, vector<1x200xf32>
    %get3A_540 = arith.constant 0 : index
    %get3A_541 = arith.constant 0 : index
    %get3A_542 = vector.load %arg27[%get3A_540, %get3A_541] : memref<200x1xf32, #tpu.memory_space<vmem>>, vector<200x1xf32>
    %get3A_543 = arith.constant 0 : index
    %get3A_544 = arith.constant 0 : index
    %get3A_545 = vector.load %arg5[%get3A_543, %get3A_544] : memref<64x1280xbf16, #tpu.memory_space<vmem>>, vector<64x1280xbf16>
    %get3A_546 = arith.constant 0 : index
    %get3A_547 = arith.constant 0 : index
    %get3A_548 = vector.load %arg6[%get3A_546, %get3A_547] : memref<1280x64xbf16, #tpu.memory_space<vmem>>, vector<1280x64xbf16>
    %convert_element_type3A_549 = arith.truncf %add3A_533 : vector<1280x400xf32> to vector<1280x400xbf16>
    %convert_element_type3A_550 = arith.truncf %get3A_536 : vector<400x200xf32> to vector<400x200xbf16>
    %dot_general3A_551 = arith.constant dense<0.000000e+00> : vector<1280x200xf32>
    %dot_general3A_552 = tpu.matmul %convert_element_type3A_549, %convert_element_type3A_550, %dot_general3A_551 {dimension_numbers = #tpu.dot_dimension_numbers<[1], [0], [0], [1], [0, 0, 1, 1], [], []>, transpose_lhs_hint = false} : vector<1280x400xbf16>, vector<400x200xbf16>, vector<1280x200xf32> -> vector<1280x200xf32>
    %add3A_553 = vector.broadcast %get3A_539 : vector<1x200xf32> to vector<1280x200xf32>
    %add3A_554 = arith.addf %dot_general3A_552, %add3A_553 : vector<1280x200xf32>
    %tanh3A_555 = math.tanh %add3A_554 : vector<1280x200xf32>
    %convert_element_type3A_556 = arith.truncf %tanh3A_555 : vector<1280x200xf32> to vector<1280x200xbf16>
    %convert_element_type3A_557 = arith.truncf %get3A_542 : vector<200x1xf32> to vector<200x1xbf16>
    %dot_general3A_558 = arith.constant dense<0.000000e+00> : vector<1280x1xf32>
    %dot_general3A_559 = tpu.matmul %convert_element_type3A_556, %convert_element_type3A_557, %dot_general3A_558 {dimension_numbers = #tpu.dot_dimension_numbers<[1], [0], [0], [1], [0, 0, 1, 1], [], []>, transpose_lhs_hint = false} : vector<1280x200xbf16>, vector<200x1xbf16>, vector<1280x1xf32> -> vector<1280x1xf32>
    %sub3A_560 = arith.constant 2.000000e+01 : f32
    %sub3A_561 = vector.broadcast %sub3A_560 : f32 to vector<1280x1xf32>
    %sub3A_562 = arith.subf %dot_general3A_559, %sub3A_561 : vector<1280x1xf32>
    %exp3A_563 = math.exp %sub3A_562 : vector<1280x1xf32>
    %convert_element_type3A_564 = arith.truncf %exp3A_563 : vector<1280x1xf32> to vector<1280x1xbf16>
    %dot_general3A_565 = arith.constant dense<0.000000e+00> : vector<64x1xf32>
    %dot_general3A_566 = tpu.matmul %get3A_545, %convert_element_type3A_564, %dot_general3A_565 {dimension_numbers = #tpu.dot_dimension_numbers<[1], [0], [0], [1], [0, 0, 1, 1], [], []>, transpose_lhs_hint = false} : vector<64x1280xbf16>, vector<1280x1xbf16>, vector<64x1xf32> -> vector<64x1xf32>
    %div3A_567 = arith.constant 1.000000e+00 : f32
    %div3A_568 = vector.broadcast %div3A_567 : f32 to vector<64x1xf32>
    %div3A_569 = arith.divf %div3A_568, %dot_general3A_566 : vector<64x1xf32>
    %convert_element_type3A_570 = arith.truncf %div3A_569 : vector<64x1xf32> to vector<64x1xbf16>
    %dot_general3A_571 = arith.constant dense<0.000000e+00> : vector<1280x1xf32>
    %dot_general3A_572 = tpu.matmul %get3A_548, %convert_element_type3A_570, %dot_general3A_571 {dimension_numbers = #tpu.dot_dimension_numbers<[1], [0], [0], [1], [0, 0, 1, 1], [], []>, transpose_lhs_hint = false} : vector<1280x64xbf16>, vector<64x1xbf16>, vector<1280x1xf32> -> vector<1280x1xf32>
    %mul3A_573 = arith.mulf %exp3A_563, %dot_general3A_572 : vector<1280x1xf32>
    %mul3A_574 = vector.broadcast %mul3A_573 : vector<1280x1xf32> to vector<1280x400xf32>
    %mul3A_575 = arith.mulf %mul3A_574, %add3A_533 : vector<1280x400xf32>
    %convert_element_type3A_576 = arith.truncf %mul3A_575 : vector<1280x400xf32> to vector<1280x400xbf16>
    %dot_general3A_577 = arith.constant dense<0.000000e+00> : vector<64x400xf32>
    %dot_general3A_578 = tpu.matmul %get3A_545, %convert_element_type3A_576, %dot_general3A_577 {dimension_numbers = #tpu.dot_dimension_numbers<[1], [0], [0], [1], [0, 0, 1, 1], [], []>, transpose_lhs_hint = false} : vector<64x1280xbf16>, vector<1280x400xbf16>, vector<64x400xf32> -> vector<64x400xf32>
    %get3A_579 = arith.constant 0 : index
    %get3A_580 = arith.constant 0 : index
    %get3A_581 = vector.load %arg28[%get3A_579, %get3A_580] : memref<1x400xf32, #tpu.memory_space<vmem>>, vector<1x400xf32>
    %get3A_582 = arith.constant 0 : index
    %get3A_583 = arith.constant 0 : index
    %get3A_584 = vector.load %arg29[%get3A_582, %get3A_583] : memref<1x400xf32, #tpu.memory_space<vmem>>, vector<1x400xf32>
    %reduce_sum3A_585 = arith.constant dense<0.000000e+00> : vector<64xf32>
    %reduce_sum3A_586 = vector.multi_reduction <add>, %dot_general3A_578, %reduce_sum3A_585 [1] : vector<64x400xf32> to vector<64xf32>
    %broadcast_in_dim3A_587 = vector.shape_cast %reduce_sum3A_586 : vector<64xf32> to vector<64x1xf32>
    %div3A_588 = arith.constant 4.000000e+02 : f32
    %div3A_589 = vector.broadcast %div3A_588 : f32 to vector<64x1xf32>
    %div3A_590 = arith.divf %broadcast_in_dim3A_587, %div3A_589 : vector<64x1xf32>
    %sub3A_591 = vector.broadcast %div3A_590 : vector<64x1xf32> to vector<64x400xf32>
    %sub3A_592 = arith.subf %dot_general3A_578, %sub3A_591 : vector<64x400xf32>
    %sub3A_593 = vector.broadcast %div3A_590 : vector<64x1xf32> to vector<64x400xf32>
    %sub3A_594 = arith.subf %dot_general3A_578, %sub3A_593 : vector<64x400xf32>
    %mul3A_595 = arith.mulf %sub3A_592, %sub3A_594 : vector<64x400xf32>
    %reduce_sum3A_596 = arith.constant dense<0.000000e+00> : vector<64xf32>
    %reduce_sum3A_597 = vector.multi_reduction <add>, %mul3A_595, %reduce_sum3A_596 [1] : vector<64x400xf32> to vector<64xf32>
    %broadcast_in_dim3A_598 = vector.shape_cast %reduce_sum3A_597 : vector<64xf32> to vector<64x1xf32>
    %div3A_599 = arith.constant 4.000000e+02 : f32
    %div3A_600 = vector.broadcast %div3A_599 : f32 to vector<64x1xf32>
    %div3A_601 = arith.divf %broadcast_in_dim3A_598, %div3A_600 : vector<64x1xf32>
    %sub3A_602 = vector.broadcast %div3A_590 : vector<64x1xf32> to vector<64x400xf32>
    %sub3A_603 = arith.subf %dot_general3A_578, %sub3A_602 : vector<64x400xf32>
    %add3A_604 = arith.constant 9.99999974E-6 : f32
    %add3A_605 = vector.broadcast %add3A_604 : f32 to vector<64x1xf32>
    %add3A_606 = arith.addf %div3A_601, %add3A_605 : vector<64x1xf32>
    %rsqrt3A_607 = math.rsqrt %add3A_606 : vector<64x1xf32>
    %mul3A_608 = vector.broadcast %rsqrt3A_607 : vector<64x1xf32> to vector<64x400xf32>
    %mul3A_609 = arith.mulf %sub3A_603, %mul3A_608 : vector<64x400xf32>
    %mul3A_610 = vector.broadcast %get3A_581 : vector<1x400xf32> to vector<64x400xf32>
    %mul3A_611 = arith.mulf %mul3A_609, %mul3A_610 : vector<64x400xf32>
    %add3A_612 = vector.broadcast %get3A_584 : vector<1x400xf32> to vector<64x400xf32>
    %add3A_613 = arith.addf %mul3A_611, %add3A_612 : vector<64x400xf32>
    %swap3A_614 = arith.constant 0 : index
    %swap3A_615 = arith.constant 0 : index
    %swap3A_616 = vector.load %arg31[%swap3A_614, %swap3A_615] : memref<64x400xf32, #tpu.memory_space<vmem>>, vector<64x400xf32>
    tpu.vector_store %arg31[%swap3A_614, %swap3A_615], %add3A_613 {strides = array<i32>} : memref<64x400xf32, #tpu.memory_space<vmem>>, vector<64x400xf32>,
    return
  }
  func.func @transform_0(%arg0: i32) -> (i32, i32, i32) {
    %c0_i32 = arith.constant 0 : i32
    %c0_i32_0 = arith.constant 0 : i32
    %c0_i32_1 = arith.constant 0 : i32
    return %arg0, %c0_i32, %c0_i32_0 : i32, i32, i32
  }
  func.func @transform_1(%arg0: i32) -> (i32, i32, i32) {
    %c0_i32 = arith.constant 0 : i32
    %c0_i32_0 = arith.constant 0 : i32
    %c0_i32_1 = arith.constant 0 : i32
    return %arg0, %c0_i32, %c0_i32_0 : i32, i32, i32
  }
  func.func @transform_2(%arg0: i32) -> (i32, i32) {
    %c0_i32 = arith.constant 0 : i32
    %c0_i32_0 = arith.constant 0 : i32
    %c0_i32_1 = arith.constant 0 : i32
    return %c0_i32, %c0_i32_0 : i32, i32
  }
  func.func @transform_3(%arg0: i32) -> (i32, i32) {
    %c0_i32 = arith.constant 0 : i32
    %c0_i32_0 = arith.constant 0 : i32
    %c0_i32_1 = arith.constant 0 : i32
    return %c0_i32, %c0_i32_0 : i32, i32
  }
  func.func @transform_4(%arg0: i32) -> (i32, i32) {
    %c0_i32 = arith.constant 0 : i32
    %c0_i32_0 = arith.constant 0 : i32
    %c0_i32_1 = arith.constant 0 : i32
    return %c0_i32, %c0_i32_0 : i32, i32
  }
  func.func @transform_5(%arg0: i32) -> (i32, i32) {
    %c0_i32 = arith.constant 0 : i32
    %c0_i32_0 = arith.constant 0 : i32
    %c0_i32_1 = arith.constant 0 : i32
    return %c0_i32, %c0_i32_0 : i32, i32
  }
  func.func @transform_6(%arg0: i32) -> (i32, i32) {
    %c0_i32 = arith.constant 0 : i32
    %c0_i32_0 = arith.constant 0 : i32
    %c0_i32_1 = arith.constant 0 : i32
    return %c0_i32, %c0_i32_0 : i32, i32
  }
  func.func @transform_7(%arg0: i32) -> (i32, i32) {
    %c0_i32 = arith.constant 0 : i32
    %c0_i32_0 = arith.constant 0 : i32
    %c0_i32_1 = arith.constant 0 : i32
    return %c0_i32, %c0_i32_0 : i32, i32
  }
  func.func @transform_8(%arg0: i32) -> (i32, i32) {
    %c0_i32 = arith.constant 0 : i32
    %c0_i32_0 = arith.constant 0 : i32
    %c0_i32_1 = arith.constant 0 : i32
    return %c0_i32, %c0_i32_0 : i32, i32
  }
  func.func @transform_9(%arg0: i32) -> (i32, i32) {
    %c0_i32 = arith.constant 0 : i32
    %c0_i32_0 = arith.constant 0 : i32
    %c0_i32_1 = arith.constant 0 : i32
    return %c0_i32, %c0_i32_0 : i32, i32
  }
  func.func @transform_10(%arg0: i32) -> (i32, i32) {
    %c0_i32 = arith.constant 0 : i32
    %c0_i32_0 = arith.constant 0 : i32
    %c0_i32_1 = arith.constant 0 : i32
    return %c0_i32, %c0_i32_0 : i32, i32
  }
  func.func @transform_11(%arg0: i32) -> (i32, i32) {
    %c0_i32 = arith.constant 0 : i32
    %c0_i32_0 = arith.constant 0 : i32
    %c0_i32_1 = arith.constant 0 : i32
    return %c0_i32, %c0_i32_0 : i32, i32
  }
  func.func @transform_12(%arg0: i32) -> (i32, i32) {
    %c0_i32 = arith.constant 0 : i32
    %c0_i32_0 = arith.constant 0 : i32
    %c0_i32_1 = arith.constant 0 : i32
    return %c0_i32, %c0_i32_0 : i32, i32
  }
  func.func @transform_13(%arg0: i32) -> (i32, i32) {
    %c0_i32 = arith.constant 0 : i32
    %c0_i32_0 = arith.constant 0 : i32
    %c0_i32_1 = arith.constant 0 : i32
    return %c0_i32, %c0_i32_0 : i32, i32
  }
  func.func @transform_14(%arg0: i32) -> (i32, i32) {
    %c0_i32 = arith.constant 0 : i32
    %c0_i32_0 = arith.constant 0 : i32
    %c0_i32_1 = arith.constant 0 : i32
    return %c0_i32, %c0_i32_0 : i32, i32
  }
  func.func @transform_15(%arg0: i32) -> (i32, i32) {
    %c0_i32 = arith.constant 0 : i32
    %c0_i32_0 = arith.constant 0 : i32
    %c0_i32_1 = arith.constant 0 : i32
    return %c0_i32, %c0_i32_0 : i32, i32
  }
  func.func @transform_16(%arg0: i32) -> (i32, i32) {
    %c0_i32 = arith.constant 0 : i32
    %c0_i32_0 = arith.constant 0 : i32
    %c0_i32_1 = arith.constant 0 : i32
    return %c0_i32, %c0_i32_0 : i32, i32
  }
  func.func @transform_17(%arg0: i32) -> (i32, i32) {
    %c0_i32 = arith.constant 0 : i32
    %c0_i32_0 = arith.constant 0 : i32
    %c0_i32_1 = arith.constant 0 : i32
    return %c0_i32, %c0_i32_0 : i32, i32
  }
  func.func @transform_18(%arg0: i32) -> (i32, i32) {
    %c0_i32 = arith.constant 0 : i32
    %c0_i32_0 = arith.constant 0 : i32
    %c0_i32_1 = arith.constant 0 : i32
    return %c0_i32, %c0_i32_0 : i32, i32
  }
  func.func @transform_19(%arg0: i32) -> (i32, i32) {
    %c0_i32 = arith.constant 0 : i32
    %c0_i32_0 = arith.constant 0 : i32
    %c0_i32_1 = arith.constant 0 : i32
    return %c0_i32, %c0_i32_0 : i32, i32
  }
  func.func @transform_20(%arg0: i32) -> (i32, i32) {
    %c0_i32 = arith.constant 0 : i32
    %c0_i32_0 = arith.constant 0 : i32
    %c0_i32_1 = arith.constant 0 : i32
    return %c0_i32, %c0_i32_0 : i32, i32
  }
  func.func @transform_21(%arg0: i32) -> (i32, i32) {
    %c0_i32 = arith.constant 0 : i32
    %c0_i32_0 = arith.constant 0 : i32
    %c0_i32_1 = arith.constant 0 : i32
    return %c0_i32, %c0_i32_0 : i32, i32
  }
  func.func @transform_22(%arg0: i32) -> (i32, i32) {
    %c0_i32 = arith.constant 0 : i32
    %c0_i32_0 = arith.constant 0 : i32
    %c0_i32_1 = arith.constant 0 : i32
    return %c0_i32, %c0_i32_0 : i32, i32
  }
  func.func @transform_23(%arg0: i32) -> (i32, i32) {
    %c0_i32 = arith.constant 0 : i32
    %c0_i32_0 = arith.constant 0 : i32
    %c0_i32_1 = arith.constant 0 : i32
    return %c0_i32, %c0_i32_0 : i32, i32
  }
  func.func @transform_24(%arg0: i32) -> (i32, i32) {
    %c0_i32 = arith.constant 0 : i32
    %c0_i32_0 = arith.constant 0 : i32
    %c0_i32_1 = arith.constant 0 : i32
    return %c0_i32, %c0_i32_0 : i32, i32
  }
  func.func @transform_25(%arg0: i32) -> (i32, i32) {
    %c0_i32 = arith.constant 0 : i32
    %c0_i32_0 = arith.constant 0 : i32
    %c0_i32_1 = arith.constant 0 : i32
    return %c0_i32, %c0_i32_0 : i32, i32
  }
  func.func @transform_26(%arg0: i32) -> (i32, i32) {
    %c0_i32 = arith.constant 0 : i32
    %c0_i32_0 = arith.constant 0 : i32
    %c0_i32_1 = arith.constant 0 : i32
    return %c0_i32, %c0_i32_0 : i32, i32
  }
  func.func @transform_27(%arg0: i32) -> (i32, i32) {
    %c0_i32 = arith.constant 0 : i32
    %c0_i32_0 = arith.constant 0 : i32
    %c0_i32_1 = arith.constant 0 : i32
    return %c0_i32, %c0_i32_0 : i32, i32
  }
  func.func @transform_28(%arg0: i32) -> (i32, i32) {
    %c0_i32 = arith.constant 0 : i32
    %c0_i32_0 = arith.constant 0 : i32
    %c0_i32_1 = arith.constant 0 : i32
    return %c0_i32, %c0_i32_0 : i32, i32
  }
  func.func @transform_29(%arg0: i32) -> (i32, i32) {
    %c0_i32 = arith.constant 0 : i32
    %c0_i32_0 = arith.constant 0 : i32
    return %arg0, %c0_i32 : i32, i32
  }
  func.func @transform_30(%arg0: i32) -> (i32, i32) {
    %c0_i32 = arith.constant 0 : i32
    %c0_i32_0 = arith.constant 0 : i32
    return %arg0, %c0_i32 : i32, i32
  }
}

module attributes {stable_mosaic.version = 14 : i64} {
  func.func @_fusion_body(%arg0: i32, %arg1: memref<512x400xf32, #tpu.memory_space<vmem>>, %arg2: memref<512x400xf32, #tpu.memory_space<vmem>>, %arg3: memref<512x128xf32, #tpu.memory_space<vmem>>, %arg4: memref<512x128xf32, #tpu.memory_space<vmem>>, %arg5: memref<128x400xf32, #tpu.memory_space<vmem>>, %arg6: memref<1x400xf32, #tpu.memory_space<vmem>>, %arg7: memref<1x400xf32, #tpu.memory_space<vmem>>, %arg8: memref<1x400xf32, #tpu.memory_space<vmem>>, %arg9: memref<128x400xf32, #tpu.memory_space<vmem>>, %arg10: memref<1x400xf32, #tpu.memory_space<vmem>>, %arg11: memref<1x400xf32, #tpu.memory_space<vmem>>, %arg12: memref<1x400xf32, #tpu.memory_space<vmem>>, %arg13: memref<400x200xf32, #tpu.memory_space<vmem>>, %arg14: memref<1x200xf32, #tpu.memory_space<vmem>>, %arg15: memref<1x200xf32, #tpu.memory_space<vmem>>, %arg16: memref<1x400xf32, #tpu.memory_space<vmem>>, %arg17: memref<1x400xf32, #tpu.memory_space<vmem>>, %arg18: memref<512x400xf32, #tpu.memory_space<vmem>>) attributes {dimension_semantics = [#tpu.dimension_semantics<arbitrary>], iteration_bounds = array<i64: 8>, scalar_prefetch = 0 : i64, scratch_operands = 0 : i64, tpu.core_type = #tpu.core_type<tc>, window_params = [{transform_indices = @transform_0, window_bounds = array<i64: 512, 400>}, {transform_indices = @transform_1, window_bounds = array<i64: 512, 400>}, {transform_indices = @transform_2, window_bounds = array<i64: 512, 128>}, {transform_indices = @transform_3, window_bounds = array<i64: 512, 128>}, {pipeline_mode = #tpu.pipeline_mode<synchronous>, transform_indices = @transform_4, window_bounds = array<i64: 128, 400>}, {pipeline_mode = #tpu.pipeline_mode<synchronous>, transform_indices = @transform_5, window_bounds = array<i64: 1, 400>}, {pipeline_mode = #tpu.pipeline_mode<synchronous>, transform_indices = @transform_6, window_bounds = array<i64: 1, 400>}, {pipeline_mode = #tpu.pipeline_mode<synchronous>, transform_indices = @transform_7, window_bounds = array<i64: 1, 400>}, {pipeline_mode = #tpu.pipeline_mode<synchronous>, transform_indices = @transform_8, window_bounds = array<i64: 128, 400>}, {pipeline_mode = #tpu.pipeline_mode<synchronous>, transform_indices = @transform_9, window_bounds = array<i64: 1, 400>}, {pipeline_mode = #tpu.pipeline_mode<synchronous>, transform_indices = @transform_10, window_bounds = array<i64: 1, 400>}, {pipeline_mode = #tpu.pipeline_mode<synchronous>, transform_indices = @transform_11, window_bounds = array<i64: 1, 400>}, {pipeline_mode = #tpu.pipeline_mode<synchronous>, transform_indices = @transform_12, window_bounds = array<i64: 400, 200>}, {pipeline_mode = #tpu.pipeline_mode<synchronous>, transform_indices = @transform_13, window_bounds = array<i64: 1, 200>}, {pipeline_mode = #tpu.pipeline_mode<synchronous>, transform_indices = @transform_14, window_bounds = array<i64: 1, 200>}, {pipeline_mode = #tpu.pipeline_mode<synchronous>, transform_indices = @transform_15, window_bounds = array<i64: 1, 400>}, {pipeline_mode = #tpu.pipeline_mode<synchronous>, transform_indices = @transform_16, window_bounds = array<i64: 1, 400>}, {transform_indices = @transform_17, window_bounds = array<i64: 512, 400>}]} {
    %get3A = arith.constant 0 : index
    %get3A_0 = arith.constant 0 : index
    %get3A_1 = vector.load %arg7[%get3A, %get3A_0] : memref<1x400xf32, #tpu.memory_space<vmem>>, vector<1x400xf32>
    %mul3A = arith.constant 0.999994993 : f32
    %mul3A_2 = vector.broadcast %mul3A : f32 to vector<1x400xf32>
    %mul3A_3 = arith.mulf %get3A_1, %mul3A_2 : vector<1x400xf32>
    %get3A_4 = arith.constant 0 : index
    %get3A_5 = arith.constant 0 : index
    %get3A_6 = vector.load %arg11[%get3A_4, %get3A_5] : memref<1x400xf32, #tpu.memory_space<vmem>>, vector<1x400xf32>
    %mul3A_7 = arith.constant 0.999994993 : f32
    %mul3A_8 = vector.broadcast %mul3A_7 : f32 to vector<1x400xf32>
    %mul3A_9 = arith.mulf %get3A_6, %mul3A_8 : vector<1x400xf32>
    %get3A_10 = arith.constant 0 : index
    %get3A_11 = arith.constant 0 : index
    %get3A_12 = vector.load %arg3[%get3A_10, %get3A_11] : memref<512x128xf32, #tpu.memory_space<vmem>>, vector<512x128xf32>
    %get3A_13 = arith.constant 0 : index
    %get3A_14 = arith.constant 0 : index
    %get3A_15 = vector.load %arg5[%get3A_13, %get3A_14] : memref<128x400xf32, #tpu.memory_space<vmem>>, vector<128x400xf32>
    %mul3A_16 = vector.broadcast %mul3A_3 : vector<1x400xf32> to vector<128x400xf32>
    %mul3A_17 = arith.mulf %get3A_15, %mul3A_16 : vector<128x400xf32>
    %convert_element_type3A = arith.truncf %get3A_12 : vector<512x128xf32> to vector<512x128xbf16>
    %convert_element_type3A_18 = arith.truncf %mul3A_17 : vector<128x400xf32> to vector<128x400xbf16>
    %dot_general3A = arith.constant dense<0.000000e+00> : vector<512x400xf32>
    %dot_general3A_19 = tpu.matmul %convert_element_type3A, %convert_element_type3A_18, %dot_general3A {dimension_numbers = #tpu.dot_dimension_numbers<[1], [0], [0], [1], [0, 0, 1, 1], [], []>, transpose_lhs_hint = false} : vector<512x128xbf16>, vector<128x400xbf16>, vector<512x400xf32> -> vector<512x400xf32>
    %get3A_20 = arith.constant 0 : index
    %get3A_21 = arith.constant 0 : index
    %get3A_22 = vector.load %arg6[%get3A_20, %get3A_21] : memref<1x400xf32, #tpu.memory_space<vmem>>, vector<1x400xf32>
    %mul3A_23 = arith.mulf %get3A_22, %mul3A_3 : vector<1x400xf32>
    %get3A_24 = arith.constant 0 : index
    %get3A_25 = arith.constant 0 : index
    %get3A_26 = vector.load %arg8[%get3A_24, %get3A_25] : memref<1x400xf32, #tpu.memory_space<vmem>>, vector<1x400xf32>
    %add3A = arith.addf %mul3A_23, %get3A_26 : vector<1x400xf32>
    %add3A_27 = vector.broadcast %add3A : vector<1x400xf32> to vector<512x400xf32>
    %add3A_28 = arith.addf %dot_general3A_19, %add3A_27 : vector<512x400xf32>
    %get3A_29 = arith.constant 0 : index
    %get3A_30 = arith.constant 0 : index
    %get3A_31 = vector.load %arg4[%get3A_29, %get3A_30] : memref<512x128xf32, #tpu.memory_space<vmem>>, vector<512x128xf32>
    %get3A_32 = arith.constant 0 : index
    %get3A_33 = arith.constant 0 : index
    %get3A_34 = vector.load %arg9[%get3A_32, %get3A_33] : memref<128x400xf32, #tpu.memory_space<vmem>>, vector<128x400xf32>
    %mul3A_35 = vector.broadcast %mul3A_9 : vector<1x400xf32> to vector<128x400xf32>
    %mul3A_36 = arith.mulf %get3A_34, %mul3A_35 : vector<128x400xf32>
    %convert_element_type3A_37 = arith.truncf %get3A_31 : vector<512x128xf32> to vector<512x128xbf16>
    %convert_element_type3A_38 = arith.truncf %mul3A_36 : vector<128x400xf32> to vector<128x400xbf16>
    %dot_general3A_39 = arith.constant dense<0.000000e+00> : vector<512x400xf32>
    %dot_general3A_40 = tpu.matmul %convert_element_type3A_37, %convert_element_type3A_38, %dot_general3A_39 {dimension_numbers = #tpu.dot_dimension_numbers<[1], [0], [0], [1], [0, 0, 1, 1], [], []>, transpose_lhs_hint = false} : vector<512x128xbf16>, vector<128x400xbf16>, vector<512x400xf32> -> vector<512x400xf32>
    %get3A_41 = arith.constant 0 : index
    %get3A_42 = arith.constant 0 : index
    %get3A_43 = vector.load %arg10[%get3A_41, %get3A_42] : memref<1x400xf32, #tpu.memory_space<vmem>>, vector<1x400xf32>
    %mul3A_44 = arith.mulf %get3A_43, %mul3A_9 : vector<1x400xf32>
    %get3A_45 = arith.constant 0 : index
    %get3A_46 = arith.constant 0 : index
    %get3A_47 = vector.load %arg12[%get3A_45, %get3A_46] : memref<1x400xf32, #tpu.memory_space<vmem>>, vector<1x400xf32>
    %add3A_48 = arith.addf %mul3A_44, %get3A_47 : vector<1x400xf32>
    %add3A_49 = vector.broadcast %add3A_48 : vector<1x400xf32> to vector<512x400xf32>
    %add3A_50 = arith.addf %dot_general3A_40, %add3A_49 : vector<512x400xf32>
    %get3A_51 = arith.constant 0 : index
    %get3A_52 = arith.constant 0 : index
    %get3A_53 = vector.load %arg1[%get3A_51, %get3A_52] : memref<512x400xf32, #tpu.memory_space<vmem>>, vector<512x400xf32>
    %get3A_54 = arith.constant 0 : index
    %get3A_55 = arith.constant 0 : index
    %get3A_56 = vector.load %arg2[%get3A_54, %get3A_55] : memref<512x400xf32, #tpu.memory_space<vmem>>, vector<512x400xf32>
    %get3A_57 = arith.constant 0 : index
    %get3A_58 = arith.constant 0 : index
    %get3A_59 = vector.load %arg13[%get3A_57, %get3A_58] : memref<400x200xf32, #tpu.memory_space<vmem>>, vector<400x200xf32>
    %convert_element_type3A_60 = arith.truncf %get3A_53 : vector<512x400xf32> to vector<512x400xbf16>
    %convert_element_type3A_61 = arith.truncf %get3A_59 : vector<400x200xf32> to vector<400x200xbf16>
    %dot_general3A_62 = arith.constant dense<0.000000e+00> : vector<512x200xf32>
    %dot_general3A_63 = tpu.matmul %convert_element_type3A_60, %convert_element_type3A_61, %dot_general3A_62 {dimension_numbers = #tpu.dot_dimension_numbers<[1], [0], [0], [1], [0, 0, 1, 1], [], []>, transpose_lhs_hint = false} : vector<512x400xbf16>, vector<400x200xbf16>, vector<512x200xf32> -> vector<512x200xf32>
    %get3A_64 = arith.constant 0 : index
    %get3A_65 = arith.constant 0 : index
    %get3A_66 = vector.load %arg14[%get3A_64, %get3A_65] : memref<1x200xf32, #tpu.memory_space<vmem>>, vector<1x200xf32>
    %add3A_67 = vector.broadcast %get3A_66 : vector<1x200xf32> to vector<512x200xf32>
    %add3A_68 = arith.addf %dot_general3A_63, %add3A_67 : vector<512x200xf32>
    %tanh3A = math.tanh %add3A_68 : vector<512x200xf32>
    %get3A_69 = arith.constant 0 : index
    %get3A_70 = arith.constant 0 : index
    %get3A_71 = vector.load %arg15[%get3A_69, %get3A_70] : memref<1x200xf32, #tpu.memory_space<vmem>>, vector<1x200xf32>
    %mul3A_72 = vector.broadcast %get3A_71 : vector<1x200xf32> to vector<512x200xf32>
    %mul3A_73 = arith.mulf %tanh3A, %mul3A_72 : vector<512x200xf32>
    %reduce_sum3A = arith.constant dense<0.000000e+00> : vector<512xf32>
    %reduce_sum3A_74 = vector.multi_reduction <add>, %mul3A_73, %reduce_sum3A [1] : vector<512x200xf32> to vector<512xf32>
    %broadcast_in_dim3A = vector.shape_cast %reduce_sum3A_74 : vector<512xf32> to vector<512x1xf32>
    %get3A_75 = arith.constant 0 : index
    %get3A_76 = arith.constant 0 : index
    %get3A_77 = vector.load %arg13[%get3A_75, %get3A_76] : memref<400x200xf32, #tpu.memory_space<vmem>>, vector<400x200xf32>
    %convert_element_type3A_78 = arith.truncf %get3A_56 : vector<512x400xf32> to vector<512x400xbf16>
    %convert_element_type3A_79 = arith.truncf %get3A_77 : vector<400x200xf32> to vector<400x200xbf16>
    %dot_general3A_80 = arith.constant dense<0.000000e+00> : vector<512x200xf32>
    %dot_general3A_81 = tpu.matmul %convert_element_type3A_78, %convert_element_type3A_79, %dot_general3A_80 {dimension_numbers = #tpu.dot_dimension_numbers<[1], [0], [0], [1], [0, 0, 1, 1], [], []>, transpose_lhs_hint = false} : vector<512x400xbf16>, vector<400x200xbf16>, vector<512x200xf32> -> vector<512x200xf32>
    %get3A_82 = arith.constant 0 : index
    %get3A_83 = arith.constant 0 : index
    %get3A_84 = vector.load %arg14[%get3A_82, %get3A_83] : memref<1x200xf32, #tpu.memory_space<vmem>>, vector<1x200xf32>
    %add3A_85 = vector.broadcast %get3A_84 : vector<1x200xf32> to vector<512x200xf32>
    %add3A_86 = arith.addf %dot_general3A_81, %add3A_85 : vector<512x200xf32>
    %tanh3A_87 = math.tanh %add3A_86 : vector<512x200xf32>
    %get3A_88 = arith.constant 0 : index
    %get3A_89 = arith.constant 0 : index
    %get3A_90 = vector.load %arg15[%get3A_88, %get3A_89] : memref<1x200xf32, #tpu.memory_space<vmem>>, vector<1x200xf32>
    %mul3A_91 = vector.broadcast %get3A_90 : vector<1x200xf32> to vector<512x200xf32>
    %mul3A_92 = arith.mulf %tanh3A_87, %mul3A_91 : vector<512x200xf32>
    %reduce_sum3A_93 = arith.constant dense<0.000000e+00> : vector<512xf32>
    %reduce_sum3A_94 = vector.multi_reduction <add>, %mul3A_92, %reduce_sum3A_93 [1] : vector<512x200xf32> to vector<512xf32>
    %broadcast_in_dim3A_95 = vector.shape_cast %reduce_sum3A_94 : vector<512xf32> to vector<512x1xf32>
    %get3A_96 = arith.constant 0 : index
    %get3A_97 = arith.constant 0 : index
    %get3A_98 = vector.load %arg13[%get3A_96, %get3A_97] : memref<400x200xf32, #tpu.memory_space<vmem>>, vector<400x200xf32>
    %convert_element_type3A_99 = arith.truncf %add3A_28 : vector<512x400xf32> to vector<512x400xbf16>
    %convert_element_type3A_100 = arith.truncf %get3A_98 : vector<400x200xf32> to vector<400x200xbf16>
    %dot_general3A_101 = arith.constant dense<0.000000e+00> : vector<512x200xf32>
    %dot_general3A_102 = tpu.matmul %convert_element_type3A_99, %convert_element_type3A_100, %dot_general3A_101 {dimension_numbers = #tpu.dot_dimension_numbers<[1], [0], [0], [1], [0, 0, 1, 1], [], []>, transpose_lhs_hint = false} : vector<512x400xbf16>, vector<400x200xbf16>, vector<512x200xf32> -> vector<512x200xf32>
    %get3A_103 = arith.constant 0 : index
    %get3A_104 = arith.constant 0 : index
    %get3A_105 = vector.load %arg14[%get3A_103, %get3A_104] : memref<1x200xf32, #tpu.memory_space<vmem>>, vector<1x200xf32>
    %add3A_106 = vector.broadcast %get3A_105 : vector<1x200xf32> to vector<512x200xf32>
    %add3A_107 = arith.addf %dot_general3A_102, %add3A_106 : vector<512x200xf32>
    %tanh3A_108 = math.tanh %add3A_107 : vector<512x200xf32>
    %get3A_109 = arith.constant 0 : index
    %get3A_110 = arith.constant 0 : index
    %get3A_111 = vector.load %arg15[%get3A_109, %get3A_110] : memref<1x200xf32, #tpu.memory_space<vmem>>, vector<1x200xf32>
    %mul3A_112 = vector.broadcast %get3A_111 : vector<1x200xf32> to vector<512x200xf32>
    %mul3A_113 = arith.mulf %tanh3A_108, %mul3A_112 : vector<512x200xf32>
    %reduce_sum3A_114 = arith.constant dense<0.000000e+00> : vector<512xf32>
    %reduce_sum3A_115 = vector.multi_reduction <add>, %mul3A_113, %reduce_sum3A_114 [1] : vector<512x200xf32> to vector<512xf32>
    %broadcast_in_dim3A_116 = vector.shape_cast %reduce_sum3A_115 : vector<512xf32> to vector<512x1xf32>
    %get3A_117 = arith.constant 0 : index
    %get3A_118 = arith.constant 0 : index
    %get3A_119 = vector.load %arg13[%get3A_117, %get3A_118] : memref<400x200xf32, #tpu.memory_space<vmem>>, vector<400x200xf32>
    %convert_element_type3A_120 = arith.truncf %add3A_50 : vector<512x400xf32> to vector<512x400xbf16>
    %convert_element_type3A_121 = arith.truncf %get3A_119 : vector<400x200xf32> to vector<400x200xbf16>
    %dot_general3A_122 = arith.constant dense<0.000000e+00> : vector<512x200xf32>
    %dot_general3A_123 = tpu.matmul %convert_element_type3A_120, %convert_element_type3A_121, %dot_general3A_122 {dimension_numbers = #tpu.dot_dimension_numbers<[1], [0], [0], [1], [0, 0, 1, 1], [], []>, transpose_lhs_hint = false} : vector<512x400xbf16>, vector<400x200xbf16>, vector<512x200xf32> -> vector<512x200xf32>
    %get3A_124 = arith.constant 0 : index
    %get3A_125 = arith.constant 0 : index
    %get3A_126 = vector.load %arg14[%get3A_124, %get3A_125] : memref<1x200xf32, #tpu.memory_space<vmem>>, vector<1x200xf32>
    %add3A_127 = vector.broadcast %get3A_126 : vector<1x200xf32> to vector<512x200xf32>
    %add3A_128 = arith.addf %dot_general3A_123, %add3A_127 : vector<512x200xf32>
    %tanh3A_129 = math.tanh %add3A_128 : vector<512x200xf32>
    %get3A_130 = arith.constant 0 : index
    %get3A_131 = arith.constant 0 : index
    %get3A_132 = vector.load %arg15[%get3A_130, %get3A_131] : memref<1x200xf32, #tpu.memory_space<vmem>>, vector<1x200xf32>
    %mul3A_133 = vector.broadcast %get3A_132 : vector<1x200xf32> to vector<512x200xf32>
    %mul3A_134 = arith.mulf %tanh3A_129, %mul3A_133 : vector<512x200xf32>
    %reduce_sum3A_135 = arith.constant dense<0.000000e+00> : vector<512xf32>
    %reduce_sum3A_136 = vector.multi_reduction <add>, %mul3A_134, %reduce_sum3A_135 [1] : vector<512x200xf32> to vector<512xf32>
    %broadcast_in_dim3A_137 = vector.shape_cast %reduce_sum3A_136 : vector<512xf32> to vector<512x1xf32>
    %max3A = arith.maximumf %broadcast_in_dim3A, %broadcast_in_dim3A_95 : vector<512x1xf32>
    %max3A_138 = arith.maximumf %broadcast_in_dim3A_116, %broadcast_in_dim3A_137 : vector<512x1xf32>
    %max3A_139 = arith.maximumf %max3A, %max3A_138 : vector<512x1xf32>
    %sub3A = arith.subf %broadcast_in_dim3A, %max3A_139 : vector<512x1xf32>
    %exp3A = math.exp %sub3A : vector<512x1xf32>
    %sub3A_140 = arith.subf %broadcast_in_dim3A_95, %max3A_139 : vector<512x1xf32>
    %exp3A_141 = math.exp %sub3A_140 : vector<512x1xf32>
    %sub3A_142 = arith.subf %broadcast_in_dim3A_116, %max3A_139 : vector<512x1xf32>
    %exp3A_143 = math.exp %sub3A_142 : vector<512x1xf32>
    %sub3A_144 = arith.subf %broadcast_in_dim3A_137, %max3A_139 : vector<512x1xf32>
    %exp3A_145 = math.exp %sub3A_144 : vector<512x1xf32>
    %add3A_146 = arith.addf %exp3A, %exp3A_141 : vector<512x1xf32>
    %add3A_147 = arith.addf %add3A_146, %exp3A_143 : vector<512x1xf32>
    %add3A_148 = arith.addf %add3A_147, %exp3A_145 : vector<512x1xf32>
    %mul3A_149 = vector.broadcast %exp3A : vector<512x1xf32> to vector<512x400xf32>
    %mul3A_150 = arith.mulf %mul3A_149, %get3A_53 : vector<512x400xf32>
    %add3A_151 = arith.constant 0.000000e+00 : f32
    %add3A_152 = vector.broadcast %add3A_151 : f32 to vector<512x400xf32>
    %add3A_153 = arith.addf %add3A_152, %mul3A_150 : vector<512x400xf32>
    %mul3A_154 = vector.broadcast %exp3A_141 : vector<512x1xf32> to vector<512x400xf32>
    %mul3A_155 = arith.mulf %mul3A_154, %get3A_56 : vector<512x400xf32>
    %add3A_156 = arith.addf %add3A_153, %mul3A_155 : vector<512x400xf32>
    %mul3A_157 = vector.broadcast %exp3A_143 : vector<512x1xf32> to vector<512x400xf32>
    %mul3A_158 = arith.mulf %mul3A_157, %add3A_28 : vector<512x400xf32>
    %add3A_159 = arith.addf %add3A_156, %mul3A_158 : vector<512x400xf32>
    %mul3A_160 = vector.broadcast %exp3A_145 : vector<512x1xf32> to vector<512x400xf32>
    %mul3A_161 = arith.mulf %mul3A_160, %add3A_50 : vector<512x400xf32>
    %add3A_162 = arith.addf %add3A_159, %mul3A_161 : vector<512x400xf32>
    %div3A = vector.broadcast %add3A_148 : vector<512x1xf32> to vector<512x400xf32>
    %div3A_163 = arith.divf %add3A_162, %div3A : vector<512x400xf32>
    %get3A_164 = arith.constant 0 : index
    %get3A_165 = arith.constant 0 : index
    %get3A_166 = vector.load %arg16[%get3A_164, %get3A_165] : memref<1x400xf32, #tpu.memory_space<vmem>>, vector<1x400xf32>
    %get3A_167 = arith.constant 0 : index
    %get3A_168 = arith.constant 0 : index
    %get3A_169 = vector.load %arg17[%get3A_167, %get3A_168] : memref<1x400xf32, #tpu.memory_space<vmem>>, vector<1x400xf32>
    %reduce_sum3A_170 = arith.constant dense<0.000000e+00> : vector<512xf32>
    %reduce_sum3A_171 = vector.multi_reduction <add>, %div3A_163, %reduce_sum3A_170 [1] : vector<512x400xf32> to vector<512xf32>
    %broadcast_in_dim3A_172 = vector.shape_cast %reduce_sum3A_171 : vector<512xf32> to vector<512x1xf32>
    %div3A_173 = arith.constant 4.000000e+02 : f32
    %div3A_174 = vector.broadcast %div3A_173 : f32 to vector<512x1xf32>
    %div3A_175 = arith.divf %broadcast_in_dim3A_172, %div3A_174 : vector<512x1xf32>
    %sub3A_176 = vector.broadcast %div3A_175 : vector<512x1xf32> to vector<512x400xf32>
    %sub3A_177 = arith.subf %div3A_163, %sub3A_176 : vector<512x400xf32>
    %sub3A_178 = vector.broadcast %div3A_175 : vector<512x1xf32> to vector<512x400xf32>
    %sub3A_179 = arith.subf %div3A_163, %sub3A_178 : vector<512x400xf32>
    %mul3A_180 = arith.mulf %sub3A_177, %sub3A_179 : vector<512x400xf32>
    %reduce_sum3A_181 = arith.constant dense<0.000000e+00> : vector<512xf32>
    %reduce_sum3A_182 = vector.multi_reduction <add>, %mul3A_180, %reduce_sum3A_181 [1] : vector<512x400xf32> to vector<512xf32>
    %broadcast_in_dim3A_183 = vector.shape_cast %reduce_sum3A_182 : vector<512xf32> to vector<512x1xf32>
    %div3A_184 = arith.constant 4.000000e+02 : f32
    %div3A_185 = vector.broadcast %div3A_184 : f32 to vector<512x1xf32>
    %div3A_186 = arith.divf %broadcast_in_dim3A_183, %div3A_185 : vector<512x1xf32>
    %sub3A_187 = vector.broadcast %div3A_175 : vector<512x1xf32> to vector<512x400xf32>
    %sub3A_188 = arith.subf %div3A_163, %sub3A_187 : vector<512x400xf32>
    %add3A_189 = arith.constant 9.99999974E-6 : f32
    %add3A_190 = vector.broadcast %add3A_189 : f32 to vector<512x1xf32>
    %add3A_191 = arith.addf %div3A_186, %add3A_190 : vector<512x1xf32>
    %rsqrt3A = math.rsqrt %add3A_191 : vector<512x1xf32>
    %mul3A_192 = vector.broadcast %rsqrt3A : vector<512x1xf32> to vector<512x400xf32>
    %mul3A_193 = arith.mulf %sub3A_188, %mul3A_192 : vector<512x400xf32>
    %mul3A_194 = vector.broadcast %get3A_166 : vector<1x400xf32> to vector<512x400xf32>
    %mul3A_195 = arith.mulf %mul3A_193, %mul3A_194 : vector<512x400xf32>
    %add3A_196 = vector.broadcast %get3A_169 : vector<1x400xf32> to vector<512x400xf32>
    %add3A_197 = arith.addf %mul3A_195, %add3A_196 : vector<512x400xf32>
    %swap3A = arith.constant 0 : index
    %swap3A_198 = arith.constant 0 : index
    %swap3A_199 = vector.load %arg18[%swap3A, %swap3A_198] : memref<512x400xf32, #tpu.memory_space<vmem>>, vector<512x400xf32>
    tpu.vector_store %arg18[%swap3A, %swap3A_198], %add3A_197 {strides = array<i32>} : memref<512x400xf32, #tpu.memory_space<vmem>>, vector<512x400xf32>,
    return
  }
  func.func @transform_0(%arg0: i32) -> (i32, i32) {
    %c0_i32 = arith.constant 0 : i32
    %c0_i32_0 = arith.constant 0 : i32
    return %arg0, %c0_i32 : i32, i32
  }
  func.func @transform_1(%arg0: i32) -> (i32, i32) {
    %c0_i32 = arith.constant 0 : i32
    %c0_i32_0 = arith.constant 0 : i32
    return %arg0, %c0_i32 : i32, i32
  }
  func.func @transform_2(%arg0: i32) -> (i32, i32) {
    %c0_i32 = arith.constant 0 : i32
    %c0_i32_0 = arith.constant 0 : i32
    return %arg0, %c0_i32 : i32, i32
  }
  func.func @transform_3(%arg0: i32) -> (i32, i32) {
    %c0_i32 = arith.constant 0 : i32
    %c0_i32_0 = arith.constant 0 : i32
    return %arg0, %c0_i32 : i32, i32
  }
  func.func @transform_4(%arg0: i32) -> (i32, i32) {
    %c0_i32 = arith.constant 0 : i32
    %c0_i32_0 = arith.constant 0 : i32
    %c0_i32_1 = arith.constant 0 : i32
    return %c0_i32, %c0_i32_0 : i32, i32
  }
  func.func @transform_5(%arg0: i32) -> (i32, i32) {
    %c0_i32 = arith.constant 0 : i32
    %c0_i32_0 = arith.constant 0 : i32
    %c0_i32_1 = arith.constant 0 : i32
    return %c0_i32, %c0_i32_0 : i32, i32
  }
  func.func @transform_6(%arg0: i32) -> (i32, i32) {
    %c0_i32 = arith.constant 0 : i32
    %c0_i32_0 = arith.constant 0 : i32
    %c0_i32_1 = arith.constant 0 : i32
    return %c0_i32, %c0_i32_0 : i32, i32
  }
  func.func @transform_7(%arg0: i32) -> (i32, i32) {
    %c0_i32 = arith.constant 0 : i32
    %c0_i32_0 = arith.constant 0 : i32
    %c0_i32_1 = arith.constant 0 : i32
    return %c0_i32, %c0_i32_0 : i32, i32
  }
  func.func @transform_8(%arg0: i32) -> (i32, i32) {
    %c0_i32 = arith.constant 0 : i32
    %c0_i32_0 = arith.constant 0 : i32
    %c0_i32_1 = arith.constant 0 : i32
    return %c0_i32, %c0_i32_0 : i32, i32
  }
  func.func @transform_9(%arg0: i32) -> (i32, i32) {
    %c0_i32 = arith.constant 0 : i32
    %c0_i32_0 = arith.constant 0 : i32
    %c0_i32_1 = arith.constant 0 : i32
    return %c0_i32, %c0_i32_0 : i32, i32
  }
  func.func @transform_10(%arg0: i32) -> (i32, i32) {
    %c0_i32 = arith.constant 0 : i32
    %c0_i32_0 = arith.constant 0 : i32
    %c0_i32_1 = arith.constant 0 : i32
    return %c0_i32, %c0_i32_0 : i32, i32
  }
  func.func @transform_11(%arg0: i32) -> (i32, i32) {
    %c0_i32 = arith.constant 0 : i32
    %c0_i32_0 = arith.constant 0 : i32
    %c0_i32_1 = arith.constant 0 : i32
    return %c0_i32, %c0_i32_0 : i32, i32
  }
  func.func @transform_12(%arg0: i32) -> (i32, i32) {
    %c0_i32 = arith.constant 0 : i32
    %c0_i32_0 = arith.constant 0 : i32
    %c0_i32_1 = arith.constant 0 : i32
    return %c0_i32, %c0_i32_0 : i32, i32
  }
  func.func @transform_13(%arg0: i32) -> (i32, i32) {
    %c0_i32 = arith.constant 0 : i32
    %c0_i32_0 = arith.constant 0 : i32
    %c0_i32_1 = arith.constant 0 : i32
    return %c0_i32, %c0_i32_0 : i32, i32
  }
  func.func @transform_14(%arg0: i32) -> (i32, i32) {
    %c0_i32 = arith.constant 0 : i32
    %c0_i32_0 = arith.constant 0 : i32
    %c0_i32_1 = arith.constant 0 : i32
    return %c0_i32, %c0_i32_0 : i32, i32
  }
  func.func @transform_15(%arg0: i32) -> (i32, i32) {
    %c0_i32 = arith.constant 0 : i32
    %c0_i32_0 = arith.constant 0 : i32
    %c0_i32_1 = arith.constant 0 : i32
    return %c0_i32, %c0_i32_0 : i32, i32
  }
  func.func @transform_16(%arg0: i32) -> (i32, i32) {
    %c0_i32 = arith.constant 0 : i32
    %c0_i32_0 = arith.constant 0 : i32
    %c0_i32_1 = arith.constant 0 : i32
    return %c0_i32, %c0_i32_0 : i32, i32
  }
  func.func @transform_17(%arg0: i32) -> (i32, i32) {
    %c0_i32 = arith.constant 0 : i32
    %c0_i32_0 = arith.constant 0 : i32
    return %arg0, %c0_i32 : i32, i32
  }
}

</mosaic_0001>

<sc_bundles>
// kernel: kernel.5.cloned.1.call-start
scs
__scs_entry_jumppad:
0x0: {  	(pc) =	sbr.rel $0x88, $3  }
0x1: {  	(tag) =	ssettag $0x0;
	lr =	simm.s32 $0x1  }
0x2: {  	[smem:$0x3F77] =	sst lr;
	_ =	strace $0xD0000000  }
0x3: {  	_ = 	snop  }
0x4: {  	_ = 	snop  }
0x5: {  	_ = 	snop  }
0x6: {  	_ = 	snop  }
0x7: {  	_ = 	snop  }
__scs_overlays_trampoline_lowered:
0x8: {  	[smem:$0x3F86] =	sst s0  }
0x9: {  	[smem:$0x3F87] =	sst s1  }
0xa: {  	[smem:$0x3F88] =	sst s2  }
0xb: {  	[smem:$0x3F89] =	sst s3  }
0xc: {  	[smem:$0x3F8A] =	sst s4  }
0xd: {  	[smem:$0x3F8B] =	sst s5  }
0xe: {  	[smem:$0x3F8C] =	sst s6  }
0xf: {  	[smem:$0x3F8D] =	sst s7  }
0x10: {  	[smem:$0x3F8E] =	sst s8  }
0x11: {  	[smem:$0x3F8F] =	sst s9;
	s0 =	simm.s32 @!p0 $0x0  }
0x12: {  	s1 =	sld [smem:$0x3F75];
	s0 =	simm.s32 @p0 $0x1  }
0x13: {  	[smem:$0x3F90] =	sst s0;
	s0 =	simm.s32 @!p1 $0x0  }
0x14: {  	s2 =	sld [smem:$0x3F74];
	s0 =	simm.s32 @p1 $0x1  }
0x15: {  	[smem:$0x3F91] =	sst s0;
	s0 =	simm.s32 @!p2 $0x0  }
0x16: {  	s3 =	sld [smem:$0x3FDB];
	s0 =	simm.s32 @p2 $0x1  }
0x17: {  	s4 =	simm.s32 $0x1BF5;
	[smem:$0x3F93] =	sst s0  }
0x18: {  	s0 =	sld [smem:$0x3F76];
	_ =	swait.ge [sflag:s4], $0x0  }
0x19: {  	s7 =	sld [smem:$0x3F77]  }
0x1a: {  	s8 =	sadd.s32 $0xFFFFE003, lr  }
0x1b: {  	s9 =	sadd.s32 $0xFFFFFEF7, lr;
	s5 =	simm.s32 $0xFFFFFFFF;
	p2 =	slt.u32 s8, $0xFFFFF086  }
0x1c: {  	p1 =	slt.u32 s9, $0xF7A;
	s5 =	simm.s32 @!p2 $0x0  }
0x1d: {  	s5 =	simm.s32 @p1 $0x1;
	p0 =	seq.s32 s7, s2  }
0x1e: {  	s7 =	smul.u32 @!p0 $0xF7A, s2;
	p2 =	seq.s32 @!p0 s5, $0x0  }
0x1f: {  	s9 =	smul.u32 $0xF7A, s1;
	s8 =	simm.s32 @!p0 $0x1BF5;
	p2 =	por !p2, p0  }
0x20: {  	[sflag:s8] =	ssyncset.s32 @!p0 $0xFFFFF086;
	s6 =	sadd.s32 @!p0 s3, s7;
	s7 =	simm.s32 @!p0 $0x108  }
0x21: {  	s3 =	sadd.s32 s3, s9;
	s6 =	sadd.s32 @!p0 $0x88, s6;
	s7 =	simm.s32 @p2 $0x1082  }
0x22: {  	[simem:s7], [sflag:s8] =	dma.local @!p0 [hbm:s6], $0xF7A  }
0x23: {  	s9 =	sor.u32 $0xD0000000, s2;
	s6 =	simm.s32 $0x108;
	_ =	swait.ge @!p0 [sflag:s8], $0x0  }
0x24: {  	s3 =	sadd.s32 $0x88, s3;
	s6 =	simm.s32 @!p1 $0x1082;
	[sflag:s4] =	ssyncset.s32 $0xFFFFF086  }
0x25: {  	[simem:s6], [sflag:s4] =	dma.local [hbm:s3], $0xF7A  }
0x26: {  	[smem:$0x3F77] =	sst s1;
	(tag) =	ssettag s2;
	_ =	strace s9  }
0x27: {  	s1 =	sld [smem:$0x3F87]  }
0x28: {  	s2 =	sld [smem:$0x3F88]  }
0x29: {  	s4 =	sld [smem:$0x3F8A]  }
0x2a: {  	p0 =	seq.s32 s5, $0x0;
	s5 =	sld [smem:$0x3F8B]  }
0x2b: {  	s6 =	sld [smem:$0x3F8C]  }
0x2c: {  	s7 =	sld [smem:$0x3F8D]  }
0x2d: {  	s3 =	simm.s32 $0x108;
	s8 =	sld [smem:$0x3F8E]  }
0x2e: {  	s3 =	simm.s32 @!p0 $0x1082;
	s9 =	sld [smem:$0x3F8F]  }
0x2f: {  	lr =	sadd.s32 s0, s3;
	s0 =	sld [smem:$0x3F86]  }
0x30: {  	s3 =	sld [smem:$0x3F89]  }
0x31: {  	[smem:$0x3F92] =	sst s10  }
0x32: {  	s10 =	sld [smem:$0x3F90];
	_ =	sdelay $0x3  }
0x33: {  	p0 =	seq.s32 s10, $0x1;
	s10 =	sld [smem:$0x3F92];
	_ =	sdelay $0x3  }
0x34: {  	[smem:$0x3F92] =	sst s10  }
0x35: {  	s10 =	sld [smem:$0x3F91];
	_ =	sdelay $0x3  }
0x36: {  	p1 =	seq.s32 s10, $0x1;
	s10 =	sld [smem:$0x3F92];
	_ =	sdelay $0x3  }
0x37: {  	[smem:$0x3F92] =	sst s10  }
0x38: {  	s10 =	sld [smem:$0x3F93]  }
0x39: {  	_ = 	snop;
	(pc) =	sbr.ind lr, $3  }
0x3a: {  	_ = 	snop  }
0x3b: {  	_ = 	snop  }
0x3c: {  	p2 =	seq.s32 s10, $0x1;
	s10 =	sld [smem:$0x3F92]  }
0x3d: {  	_ =	shalt  }
0x3e: {  	_ =	shalt  }
0x3f: {  	_ =	shalt  }
0x40: {  	_ =	shalt  }
0x41: {  	_ =	shalt  }
0x42: {  	_ =	shalt  }
0x43: {  	_ =	shalt  }
0x44: {  	_ =	shalt  }
0x45: {  	_ =	shalt  }
0x46: {  	_ =	shalt  }
0x47: {  	_ =	shalt  }
0x48: {  	_ =	shalt  }
0x49: {  	_ =	shalt  }
0x4a: {  	_ =	shalt  }
0x4b: {  	_ =	shalt  }
0x4c: {  	_ =	shalt  }
0x4d: {  	_ =	shalt  }
0x4e: {  	_ =	shalt  }
0x4f: {  	_ =	shalt  }
0x50: {  	_ =	shalt  }
0x51: {  	_ =	shalt  }
0x52: {  	_ =	shalt  }
0x53: {  	_ =	shalt  }
0x54: {  	_ =	shalt  }
0x55: {  	_ =	shalt  }
0x56: {  	_ =	shalt  }
0x57: {  	_ =	shalt  }
0x58: {  	_ =	shalt  }
0x59: {  	_ =	shalt  }
0x5a: {  	_ =	shalt  }
0x5b: {  	_ =	shalt  }
0x5c: {  	_ =	shalt  }
0x5d: {  	_ =	shalt  }
0x5e: {  	_ =	shalt  }
0x5f: {  	_ =	shalt  }
0x60: {  	_ =	shalt  }
0x61: {  	_ =	shalt  }
0x62: {  	_ =	shalt  }
0x63: {  	_ =	shalt  }
0x64: {  	_ =	shalt  }
0x65: {  	_ =	shalt  }
0x66: {  	_ =	shalt  }
0x67: {  	_ =	shalt  }
0x68: {  	_ =	shalt  }
0x69: {  	_ =	shalt  }
0x6a: {  	_ =	shalt  }
0x6b: {  	_ =	shalt  }
0x6c: {  	_ =	shalt  }
0x6d: {  	_ =	shalt  }
0x6e: {  	_ =	shalt  }
0x6f: {  	_ =	shalt  }
0x70: {  	_ =	shalt  }
0x71: {  	_ =	shalt  }
0x72: {  	_ =	shalt  }
0x73: {  	_ =	shalt  }
0x74: {  	_ =	shalt  }
0x75: {  	_ =	shalt  }
0x76: {  	_ =	shalt  }
0x77: {  	_ =	shalt  }
0x78: {  	_ =	shalt  }
0x79: {  	_ =	shalt  }
0x7a: {  	_ =	shalt  }
0x7b: {  	_ =	shalt  }
0x7c: {  	_ =	shalt  }
0x7d: {  	_ =	shalt  }
0x7e: {  	_ =	shalt  }
0x7f: {  	_ =	shalt  }
0x80: {  	_ =	shalt  }
0x81: {  	_ =	shalt  }
0x82: {  	_ =	shalt  }
0x83: {  	_ =	shalt  }
0x84: {  	_ =	shalt  }
0x85: {  	_ =	shalt  }
0x86: {  	_ =	shalt  }
0x87: {  	_ =	shalt  }
.Lfunc_end0:
.L_simem_size_0:
called_computation_lowered:
.L_overlay_start_0:
0x88: {  	s2 =	sld [smem:$0x3FD9]  }
0x89: {  	s3 =	sld [smem:$0x3FFE];
	_ =	sdelay $0x1  }
0x8a: {  	s1 =	srdreg.scid  }
0x8b: {  	s0 =	sand.u32 $0x1, s1  }
0x8c: {  	s17 =	sshll.u32 s0, $0xA;
	s2 =	sadd.s32 s3, s2  }
0x8d: {  	s2 =	sadd.s32 s2, s17  }
0x8e: {  	[smem:$0x3F9E] =	sst s2  }
0x8f: {  	_ = 	snop  }
0x90: {  	s2 =	sld [smem:$0x3FD0];
	(tm) =	ssettm $0x1  }
0x91: {  	s18 =	sld [smem:$0x3FFB];
	_ =	sdelay $0x3  }
0x92: {  	_ =	strace s18  }
0x93: {  	s3 =	sld [smem:$0x3FFC];
	_ =	sdelay $0x3  }
0x94: {  	_ =	strace s3  }
0x95: {  	s3 =	sld [smem:$0x3FFD];
	_ =	sdelay $0x3  }
0x96: {  	_ =	strace s3  }
0x97: {  	_ =	strace $0x8FFFFFFF  }
0x98: {  	s19 =	sld [smem:$0x3FDB];
	_ =	sdelay $0x1  }
0x99: {  	s4 =	simm.s32 $_scs_section_size  }
0x9a: {  	s5 =	simm.s32 $_size__tile_overlayer_lowered;
	s6 =	simm.s32 $_tile_overlayer_lowered  }
0x9b: {  	s22 =	simm.s32 $0x1BFF;
	s21 =	sshll.u32 s6, $0x1;
	s3 =	sadd.s32 s4, s19  }
0x9c: {  	s7 =	simm.s32 $0x0;
	s20 =	sshll.u32 s5, $0x1;
	s5 =	sadd.s32 s21, s3  }
0x9d: {  	[timem:s7], [sflag:s22] =	dma.local [hbm:s5], s20  }
0x9e: {  	_ =	swait.ge [sflag:s22], s20  }
0x9f: {  	s4 =	ssub.s32 $0x0, s20;
	[sflag:s22] =	ssyncset.done $0x0  }
0xa0: {  	[sflag:s22] =	ssyncadd.s32 s4;
	_ =	sdelay $0x1  }
0xa1: {  	s23 =	simm.s32 $0x1B8B  }
0xa2: {  	_ =	swait.ge [sflag:s23], $0x1  }
0xa3: {  	[sflag:s23] =	ssyncset.done $0x0  }
0xa4: {  	s25 =	simm.s32 $0x1B8E;
	s24 =	sld [smem:$0x3FFE];
	[sflag:s23] =	ssyncadd.s32 $0xFFFFFFFF  }
0xa5: {  	s26 =	simm.s32 $execute0_lowered;
	[smem:$0x3FD2] =	sst s25  }
0xa6: {  	s5 =	sshll.u32 s26, $0x1;
	_ =	strace $0x80000046;
	[dreg:$0x1] =	wrdreg $0xFFFFFFFF  }
0xa7: {  	s28 =	simm.s32 $_size_execute0_lowered;
	s3 =	sadd.s32 s3, s5;
	[dreg:$0x0] =	wrdreg $0x0  }
0xa8: {  	s5 =	sshll.u32 s28, $0x1;
	[dreg:$0x2] =	wrdreg s3  }
0xa9: {  	[dreg:$0x3] =	wrdreg s5  }
0xaa: {  	[dreg:$0x4] =	wrdreg $0xC0  }
0xab: {  	_ =	task [dreg:s7], $0x5FFFF  }
0xac: {  	[dreg:$0x1] =	wrdreg $0xFFFFFFFF  }
0xad: {  	[dreg:$0x0] =	wrdreg $0x60  }
0xae: {  	[dreg:$0x2] =	wrdreg s24  }
0xaf: {  	[dreg:$0x3] =	wrdreg s2  }
0xb0: {  	[dreg:$0x4] =	wrdreg $0x9  }
0xb1: {  	_ =	task.clear_ibuf [dreg:s7], $0x5FFFF;
	_ =	strace $0x90000046  }
0xb2: {  	s29 =	simm.s32 $0x9;
	_ =	strace $0x8000004F  }
0xb3: {  	_ =	swait.ge [sflag:s29], $0x1  }
0xb4: {  	[sflag:s29] =	ssyncadd.s32 $0xFFFFFFFF  }
0xb5: {  	_ =	strace $0x9000004F  }
0xb6: {  	_ =	sfence  }
0xb7: {  	s30 =	sld [smem:$0x0];
	_ =	sdelay $0x2  }
0xb8: {  	s31 =	sshll.u32 s1, $0xD;
	s1 =	sshrl.u32 s1, $0x2  }
0xb9: {  	s3 =	sand.u32 $0x4000, s31;
	s1 =	sadd.s32 s1, s30  }
0xba: {  	s0 =	sor.u32 s3, s0;
	s1 =	sshll.u32 s1, $0x11  }
0xbb: {  	s0 =	sor.u32 s1, s0  }
0xbc: {  	s0 =	sadd.s32 $0x8F2B, s0  }
0xbd: {  	[sflag:s0] =	ssyncadd.remote.s32 $0x1  }
0xbe: {  	_ =	sfence.sel $0xFFFF  }
0xbf: {  	[dreg:$0x0] =	wrdreg $0xFFFFFFFF;
	(pc) =	sbr.abs _section_cstart, $3  }
0xc0: {  	[dreg:$0x1] =	wrdreg $0xFFFFFFFF  }
0xc1: {  	_ =	task.clear_ibuf [dreg:s7], $0x2FFFF;
	_ =	strace $0x9FFFFFFF  }
0xc2: {  	(tm) =	ssettm $0x7FFFFFFF  }
0xc3: {  	_ =	shalt  }
tec
execute0_lowered:
.L_overlay_start_1:
0x0: {  	(tag) =	ssettag $0x1  }
0x1: {  	s0 =	srdreg.scid  }
0x2: {  	s15 =	sand.u32 $0x1, s0  }
0x3: {  	s7 =	rddreg [dreg:$0x0];
	s1 =	stileid.u32;
	s3 =	sshll.u32 s15, $0x4  }
0x4: {  	s10 =	rddreg [dreg:$0x1];
	s2 =	simm.s32 $0x0;
	s11 =	sor.u32 s1, s3  }
0x5: {  	[smem:$0x7FF] =	sst s2;
	s3 =	sshll.u32 s11, $0x5  }
0x6: {  	s0 =	rddreg [dreg:$0x2];
	_ =	strace $0x80000047;
	s4 =	sadd.s32 s3, s7  }
0x7: {  	_ =	strace $0x80000048;
	s3 =	sadd.s32 $0xD000, s4  }
0x8: {  	[tilespmem:s2], [sflag:$0x1] =	stream.linear.gather [hbm4b:s3+s2], $0x80, $0x200038;
	[tilespmem:$0x8100] =	vst v63  }
0x9: {  	_ =	strace $0x90000048  }
0xa: {  	s5 =	simm.s32 $0x80;
	s4 =	sadd.s32 $0xD010, s4;
	_ =	strace $0x80000049  }
0xb: {  	[tilespmem:s5], [sflag:$0x2] =	stream.linear.gather [hbm4b:s4+s2], $0x80, $0x200038;
	[tilespmem:$0x8100] =	vst v63  }
0xc: {  	_ =	strace $0x90000049  }
0xd: {  	s6 =	simm.s32 $0x1;
	_ =	strace $0x8000004A  }
0xe: {  	_ =	swait.ge [sflag:s6], $0x80  }
0xf: {  	[sflag:s6] =	ssyncset.done $0x0  }
0x10: {  	[sflag:s6] =	ssyncadd.s32 $0xFFFFFF80  }
0x11: {  	s8 =	simm.s32 $0x100;
	_ =	strace $0x9000004A  }
0x12: {  	s9 =	simm.s32 $0x5;
	s7 =	sadd.s32 $0x5200, s7;
	_ =	strace $0x8000004B  }
0x13: {  	[tilespmem:s8], [sflag:$0x5] =	stream.indirect.gather [hbm4b:s7+s5], $0x80, s2, s5, $0x2000b8;
	[tilespmem:$0x8100] =	vst v63  }
0x14: {  	_ =	swait.ge [sflag:s9], $0x4000  }
0x15: {  	[sflag:s9] =	ssyncset.done $0x0  }
0x16: {  	[sflag:s9] =	ssyncadd.s32 $0xFFFFC000  }
0x17: {  	s11 =	sshll.u32 s11, $0xC;
	_ =	strace $0x9000004B  }
0x18: {  	s10 =	sadd.s32 s10, s11;
	_ =	strace $0x8000004C  }
0x19: {  	[hbm4b:s10+s2] =	stream.linear.scatter [tilespmem:s8], [sflag:$0x3], $0x4000, $0x200038;
	[tilespmem:$0x8100] =	vst v63  }
0x1a: {  	_ =	strace $0x9000004C  }
0x1b: {  	s11 =	simm.s32 $0x2;
	_ =	strace $0x8000004A  }
0x1c: {  	_ =	swait.ge [sflag:s11], $0x80  }
0x1d: {  	[sflag:s11] =	ssyncset.done $0x0  }
0x1e: {  	[sflag:s11] =	ssyncadd.s32 $0xFFFFFF80  }
0x1f: {  	_ =	strace $0x9000004A  }
0x20: {  	s12 =	simm.s32 $0x4100;
	_ =	strace $0x8000004B  }
0x21: {  	[tilespmem:s12], [sflag:$0x5] =	stream.indirect.gather [hbm4b:s7+s5], $0x80, s5, s5, $0x2000b8;
	[tilespmem:$0x8100] =	vst v63  }
0x22: {  	_ =	swait.ge [sflag:s9], $0x4000  }
0x23: {  	[sflag:s9] =	ssyncset.done $0x0  }
0x24: {  	[sflag:s9] =	ssyncadd.s32 $0xFFFFC000  }
0x25: {  	_ =	strace $0x9000004B  }
0x26: {  	s13 =	sadd.s32 $0x800, s10;
	_ =	strace $0x8000004C  }
0x27: {  	[hbm4b:s13+s2] =	stream.linear.scatter [tilespmem:s12], [sflag:$0x4], $0x4000, $0x200038;
	[tilespmem:$0x8100] =	vst v63  }
0x28: {  	s15 =	ssub.s32 $0x2, s15;
	_ =	strace $0x9000004C  }
0x29: {  	s14 =	simm.s32 $0x3;
	s16 =	sshrl.u32 s15, $0x1;
	_ =	strace $0x8000004D  }
0x2a: {  	s16 =	ssub.s32 s15, s16;
	_ =	swait.ge [sflag:s14], $0x4000  }
0x2b: {  	s16 =	smax.u32 s16, $0x1;
	[sflag:s14] =	ssyncset.done $0x0  }
0x2c: {  	p0 =	sne.s32 s16, $0x1;
	[sflag:s14] =	ssyncadd.s32 $0xFFFFC000  }
.Ltmp0:
0x2d: {  	_ =	strace $0x9000004D;
	(pc) =	sbr.rel @!p0 .LBB2_2-.Ltmp0, $4  }
0x2e: {  	s15 =	simm.s32 $0x4;
	_ =	strace $0x8000004E  }
0x2f: {  	_ =	swait.ge [sflag:s15], $0x4000  }
0x30: {  	[sflag:s15] =	ssyncset.done $0x0  }
0x31: {  	s16 =	sadd.s32 $0xFFFFFFFF, s16;
	[sflag:s15] =	ssyncadd.s32 $0xFFFFC000  }
.LBB2_1:
0x32: {  	p0 =	sne.s32 s16, $0x1;
	s16 =	sadd.s32 $0xFFFFFFFF, s16;
	_ =	strace $0x9000004E  }
0x33: {  	_ =	strace $0x80000048  }
0x34: {  	[tilespmem:s2], [sflag:$0x1] =	stream.linear.gather [hbm4b:s3+s2], $0x80, $0x200038;
	[tilespmem:$0x8100] =	vst v63  }
0x35: {  	_ =	strace $0x90000048  }
0x36: {  	_ =	strace $0x80000049  }
0x37: {  	[tilespmem:s5], [sflag:$0x2] =	stream.linear.gather [hbm4b:s4+s2], $0x80, $0x200038;
	[tilespmem:$0x8100] =	vst v63  }
0x38: {  	_ =	strace $0x90000049  }
0x39: {  	_ =	strace $0x8000004A  }
0x3a: {  	_ =	swait.ge [sflag:s6], $0x80  }
0x3b: {  	[sflag:s6] =	ssyncset.done $0x0  }
0x3c: {  	[sflag:s6] =	ssyncadd.s32 $0xFFFFFF80  }
0x3d: {  	_ =	strace $0x9000004A  }
0x3e: {  	_ =	strace $0x8000004B  }
0x3f: {  	[tilespmem:s8], [sflag:$0x5] =	stream.indirect.gather [hbm4b:s7+s5], $0x80, s2, s5, $0x2000b8;
	[tilespmem:$0x8100] =	vst v63  }
0x40: {  	_ =	swait.ge [sflag:s9], $0x4000  }
0x41: {  	[sflag:s9] =	ssyncset.done $0x0  }
0x42: {  	[sflag:s9] =	ssyncadd.s32 $0xFFFFC000  }
0x43: {  	_ =	strace $0x9000004B  }
0x44: {  	_ =	strace $0x8000004C  }
0x45: {  	[hbm4b:s10+s2] =	stream.linear.scatter [tilespmem:s8], [sflag:$0x3], $0x4000, $0x200038;
	[tilespmem:$0x8100] =	vst v63  }
0x46: {  	_ =	strace $0x9000004C  }
0x47: {  	_ =	strace $0x8000004A  }
0x48: {  	_ =	swait.ge [sflag:s11], $0x80  }
0x49: {  	[sflag:s11] =	ssyncset.done $0x0  }
0x4a: {  	[sflag:s11] =	ssyncadd.s32 $0xFFFFFF80  }
0x4b: {  	_ =	strace $0x9000004A  }
0x4c: {  	_ =	strace $0x8000004B  }
0x4d: {  	[tilespmem:s12], [sflag:$0x5] =	stream.indirect.gather [hbm4b:s7+s5], $0x80, s5, s5, $0x2000b8;
	[tilespmem:$0x8100] =	vst v63  }
0x4e: {  	_ =	swait.ge [sflag:s9], $0x4000  }
0x4f: {  	[sflag:s9] =	ssyncset.done $0x0  }
0x50: {  	[sflag:s9] =	ssyncadd.s32 $0xFFFFC000  }
0x51: {  	_ =	strace $0x9000004B  }
0x52: {  	_ =	strace $0x8000004C  }
0x53: {  	[hbm4b:s13+s2] =	stream.linear.scatter [tilespmem:s12], [sflag:$0x4], $0x4000, $0x200038;
	[tilespmem:$0x8100] =	vst v63  }
0x54: {  	_ =	strace $0x9000004C  }
0x55: {  	_ =	strace $0x8000004D  }
0x56: {  	_ =	swait.ge [sflag:s14], $0x4000  }
0x57: {  	[sflag:s14] =	ssyncset.done $0x0  }
0x58: {  	[sflag:s14] =	ssyncadd.s32 $0xFFFFC000  }
.Ltmp1:
0x59: {  	_ =	strace $0x9000004D;
	(pc) =	sbr.rel @p0 .LBB2_1-.Ltmp1, $4  }
0x5a: {  	_ =	strace $0x8000004E  }
0x5b: {  	_ =	swait.ge [sflag:s15], $0x4000  }
0x5c: {  	[sflag:s15] =	ssyncset.done $0x0  }
0x5d: {  	[sflag:s15] =	ssyncadd.s32 $0xFFFFC000  }
.LBB2_2:
0x5e: {  	_ =	strace $0x9000004E  }
0x5f: {  	_ =	sfence.sel $0x180000  }
0x60: {  	[bflag:$0x0] =	sbarrier.arrive $0xFFFF  }
0x61: {  	p0 =	sne.s32 s1, $0x0;
	_ =	strace $0x90000047  }
0x62: {  	s0 =	sadd.s32 @!p0 $0x100000, s0;
	[bflag:$0x2] =	sbarrier.arrive $0xFFFF  }
0x63: {  	[sflag:s0] =	ssyncadd.tile.s32 @!p0 $0x1;
	_ =	shalt  }
.Lfunc_end2:
_tile_overlayer_lowered:
.L_overlay_start_2:
0x64: {  	(tag) =	ssettag $0x2  }
0x65: {  	s0 =	rddreg [dreg:$0x0];
	s2 =	stileid.u32  }
0x66: {  	s1 =	rddreg [dreg:$0x1];
	p0 =	sne.s32 s2, $0x0  }
0x67: {  	s3 =	rddreg [dreg:$0x2];
	[bflag:$0x3] =	sbarrier.arrive $0xFFFF;
	s2 =	simm.s32 @!p0 $0x1C01  }
0x68: {  	[timem:s3], [sflag:s2] =	dma.local @!p0 [hbm:s0], s1  }
0x69: {  	s0 =	simm.s32 @!p0 $0x1  }
0x6a: {  	_ =	swait.ge @!p0 [sflag:s0], s1  }
0x6b: {  	s1 =	ssub.s32 @!p0 $0x0, s1;
	[sflag:s0] =	ssyncset.done @!p0 $0x0  }
0x6c: {  	[sflag:s0] =	ssyncadd.s32 @!p0 s1  }
0x6d: {  	[bflag:$0x3] =	sbarrier.arrive $0xFFFF  }
0x6e: {  	_ =	shalt  }

</sc_bundles>
